<compile_context>
chip_gen: v7x
topology: tpu7x:2x2x1
jax: 0.10.2.dev20260603
libtpu: 0.0.44.dev20260713+nightly
codegen_flags: <defaults>
</compile_context>

<pallas_src>
import functools

import jax
import jax.numpy as jnp
from jax import lax
from jax.experimental import pallas as pl
from jax.experimental.pallas import tpu as pltpu
from jax.experimental.pallas import tpu_sc as plsc


def _index_body(src_ref, dst_ref, idx_ref, eidx_in_ref, times_ref,
                src_sel_ref, y_node_ref, eidx_ref, t_ref):
    src = src_ref[...]
    dst = dst_ref[...]
    index = idx_ref[...]
    eidx_in = eidx_in_ref[...]
    times = times_ref[...]

    b = src.shape[1]
    iota = lax.broadcasted_iota(jnp.int32, (1, b), 1)

    eq_i = index == iota
    neg1 = jnp.int32(-1)
    src_sel = jnp.max(jnp.where(eq_i, src, neg1), axis=1, keepdims=True)

    ls = jnp.max(jnp.where(src_sel == src, iota, neg1), axis=1, keepdims=True)
    ld = jnp.max(jnp.where(src_sel == dst, iota, neg1), axis=1, keepdims=True)
    ld_shift = jnp.where(ld >= 0, ld + b, neg1)
    p = jnp.maximum(ls, ld_shift)
    swap = p >= b
    q = jnp.where(swap, p - b, p)

    eq_q = q == iota
    y_from_d = jnp.max(jnp.where(eq_q, dst, neg1), axis=1, keepdims=True)
    y_from_s = jnp.max(jnp.where(eq_q, src, neg1), axis=1, keepdims=True)
    y_node = jnp.where(swap, y_from_s, y_from_d)
    eidx = jnp.max(jnp.where(eq_q, eidx_in, neg1), axis=1, keepdims=True)
    t = jnp.max(jnp.where(eq_q, times, jnp.float32(-1.0)), axis=1,
                keepdims=True)

    src_sel_ref[...] = src_sel
    y_node_ref[...] = y_node
    eidx_ref[...] = eidx
    t_ref[...] = t


def _resolve_indices(source_nodes, destination_nodes, index, edge_idxs,
                     edge_times):
    b = source_nodes.shape[0]
    bsel = index.shape[0]
    nblk = 4
    blk = bsel // nblk
    full = pl.BlockSpec((1, b), lambda i: (0, 0))
    col = pl.BlockSpec((blk, 1), lambda i: (i, 0))
    out = pl.pallas_call(
        _index_body,
        grid=(nblk,),
        in_specs=[full, full, col, full, full],
        out_specs=[col, col, col, col],
        out_shape=[
            jax.ShapeDtypeStruct((bsel, 1), jnp.int32),
            jax.ShapeDtypeStruct((bsel, 1), jnp.int32),
            jax.ShapeDtypeStruct((bsel, 1), jnp.int32),
            jax.ShapeDtypeStruct((bsel, 1), jnp.float32),
        ],
    )(source_nodes.reshape(1, b), destination_nodes.reshape(1, b),
      index.reshape(bsel, 1), edge_idxs.reshape(1, b),
      edge_times.reshape(1, b))
    return out


@functools.cache
def _make_sc_gather(n_nodes, n_edges, bsel):
    info = plsc.get_sparse_core_info()
    nc, ns = info.num_cores, info.num_subcores
    nw = nc * ns
    bpw = bsel // nw
    mesh = plsc.VectorSubcoreMesh(core_axis_name="c", subcore_axis_name="s")

    @functools.partial(
        pl.kernel,
        out_type=[
            jax.ShapeDtypeStruct((bsel,), jnp.int32),
            jax.ShapeDtypeStruct((bsel,), jnp.float32),
        ],
        mesh=mesh,
        scratch_types=[
            pltpu.VMEM((bpw,), jnp.int32),
            pltpu.VMEM((bpw,), jnp.int32),
            pltpu.VMEM((bpw,), jnp.int32),
            pltpu.VMEM((bpw,), jnp.float32),
            pltpu.SemaphoreType.DMA,
        ],
    )
    def sc_gather(n2c_hbm, ef_hbm, sidx_hbm, eidx_hbm,
                  cn_out, ef_out,
                  sidx_v, eidx_v, cn_v, ef_v, sem):
        wid = lax.axis_index("s") * nc + lax.axis_index("c")
        base = wid * bpw
        pltpu.sync_copy(sidx_hbm.at[pl.ds(base, bpw)], sidx_v)
        pltpu.sync_copy(eidx_hbm.at[pl.ds(base, bpw)], eidx_v)
        cps = [
            pltpu.async_copy(n2c_hbm.at[sidx_v], cn_v, sem),
            pltpu.async_copy(ef_hbm.at[eidx_v], ef_v, sem),
        ]
        for cp in cps:
            cp.wait()
        pltpu.sync_copy(cn_v, cn_out.at[pl.ds(base, bpw)])
        pltpu.sync_copy(ef_v, ef_out.at[pl.ds(base, bpw)])

    return sc_gather


def _fused_body(sidx_ref, yidx_ref, t_ref, ef_ref, cn_ref, ci_ref,
                mem_ref, comm_ref,
                tw_ref, tb_ref,
                wza_ref, wzb_ref, wze_ref, wzt_ref, uz_ref, bz_ref,
                wra_ref, wrb_ref, wre_ref, wrt_ref, ur_ref, br_ref,
                wha_ref, whb_ref, whe_ref, wht_ref, uh_ref, bh_ref,
                w1h_ref, w1c_ref, b1_ref, w2_ref, b2_ref,
                out_ref,
                xb_ref, yb_ref, cb_ref, sem0, sem1):
    k = pl.program_id(0)
    nblk = pl.num_programs(0)
    blk = out_ref.shape[0]

    def issue(blk_id, slot, sem):
        u = 8

        def one(it, _):
            base = blk_id * blk + it * u
            for kk in range(u):
                i = base + kk
                loc = it * u + kk
                s = sidx_ref[i]
                yn = yidx_ref[i]
                pltpu.make_async_copy(
                    mem_ref.at[pl.ds(s, 1)],
                    xb_ref.at[slot, pl.ds(loc, 1)], sem).start()
                pltpu.make_async_copy(
                    comm_ref.at[pl.ds(s, 1)],
                    cb_ref.at[slot, pl.ds(loc, 1)], sem).start()
                pltpu.make_async_copy(
                    mem_ref.at[pl.ds(yn, 1)],
                    yb_ref.at[slot, pl.ds(loc, 1)], sem).start()
            return 0

        lax.fori_loop(0, blk // u, one, 0, unroll=False)

    def wait_block(sem):
        for _ in range(3):
            pltpu.make_async_copy(mem_ref.at[pl.ds(0, blk)],
                                  xb_ref.at[0], sem).wait()

    @pl.when(k == 0)
    def _():
        issue(jnp.int32(0), 0, sem0)
        issue(jnp.int32(1), 1, sem1)

    @pl.when((k >= 1) & (k + 1 < nblk))
    def _():
        nxt = k + 1

        @pl.when(lax.rem(nxt, 2) == 0)
        def _():
            issue(nxt, 0, sem0)

        @pl.when(lax.rem(nxt, 2) == 1)
        def _():
            issue(nxt, 1, sem1)

    @pl.when(lax.rem(k, 2) == 0)
    def _():
        wait_block(sem0)

    @pl.when(lax.rem(k, 2) == 1)
    def _():
        wait_block(sem1)

    odd = (lax.rem(k, 2) == 1)
    x = jnp.where(odd, xb_ref[1], xb_ref[0])
    y = jnp.where(odd, yb_ref[1], yb_ref[0])
    c = jnp.where(odd, cb_ref[1], cb_ref[0])
    t = t_ref[...]
    ef = ef_ref[...]
    cn = cn_ref[...]
    ci = ci_ref[...]

    def dot(a, b):
        return lax.dot_general(a, b, (((1,), (0,)), ((), ())),
                               precision=lax.Precision.DEFAULT,
                               preferred_element_type=jnp.float32)

    tenc = jnp.cos(t * tw_ref[...] + tb_ref[...])

    pre_z = (dot(x, wza_ref[...] + uz_ref[...]) + dot(y, wzb_ref[...])
             + dot(tenc, wzt_ref[...]) + ef * wze_ref[...] + bz_ref[...])
    z = jax.nn.sigmoid(pre_z)
    pre_r = (dot(x, wra_ref[...] + ur_ref[...]) + dot(y, wrb_ref[...])
             + dot(tenc, wrt_ref[...]) + ef * wre_ref[...] + br_ref[...])
    r = jax.nn.sigmoid(pre_r)
    pre_n = (dot(x, wha_ref[...]) + dot(y, whb_ref[...])
             + dot(tenc, wht_ref[...]) + ef * whe_ref[...] + bh_ref[...]
             + dot(r * x, uh_ref[...]))
    n = jnp.tanh(pre_n)
    h = (1.0 - z) * n + z * x

    h1 = jax.nn.relu(dot(h, w1h_ref[...]) + dot(c, w1c_ref[...]) + b1_ref[...])
    o = jnp.sum(h1 * w2_ref[...], axis=1, keepdims=True) + b2_ref[...]
    pred = jax.nn.sigmoid(o)

    member = jnp.max((cn == ci).astype(jnp.float32), axis=1, keepdims=True)
    out_ref[...] = pred * member


def kernel(source_nodes, destination_nodes, edge_times, edge_idxs, index,
           memory, community_embeddings, node2community, community_index,
           edge_features, time_w, time_b,
           gru_Wz, gru_Uz, gru_bz, gru_Wr, gru_Ur, gru_br,
           gru_Wh, gru_Uh, gru_bh,
           pred_W1, pred_b1, pred_W2, pred_b2):
    b = source_nodes.shape[0]
    bsel = index.shape[0]
    n_nodes, d = memory.shape
    n_edges = edge_features.shape[0]

    src_sel, y_node, eidx, t = _resolve_indices(
        source_nodes, destination_nodes, index, edge_idxs, edge_times)

    sc_gather = _make_sc_gather(n_nodes, n_edges, bsel)
    cn, ef = sc_gather(
        node2community, edge_features.reshape(n_edges),
        src_sel.reshape(bsel), eidx.reshape(bsel))

    ci_pad = jnp.full((1, bsel), -1, dtype=jnp.int32)
    ci_pad = lax.dynamic_update_slice(
        ci_pad, community_index.astype(jnp.int32).reshape(1, -1), (0, 0))

    def parts(w):
        return (w[:d], w[d:2 * d], w[2 * d:2 * d + 1], w[2 * d + 1:])

    wza, wzb, wze, wzt = parts(gru_Wz)
    wra, wrb, wre, wrt = parts(gru_Wr)
    wha, whb, whe, wht = parts(gru_Wh)

    nblk = 4
    blk = bsel // nblk
    col = pl.BlockSpec((blk, 1), lambda i: (i, 0))
    full = lambda shape: pl.BlockSpec(shape, lambda i: tuple(0 for _ in shape))
    smem = pl.BlockSpec(memory_space=pltpu.MemorySpace.SMEM)
    anyspace = pl.BlockSpec(memory_space=pl.ANY)

    pred = pl.pallas_call(
        _fused_body,
        grid=(nblk,),
        in_specs=[smem, smem, col, col, col, full((1, bsel)),
                  anyspace, anyspace]
                 + [full((1, d))] * 2
                 + [full((d, d)), full((d, d)), full((1, d)), full((d, d)),
                    full((d, d)), full((1, d))] * 3
                 + [full((d, d)), full((d, d)), full((1, d)),
                    full((1, d)), full((1, 1))],
        out_specs=col,
        out_shape=jax.ShapeDtypeStruct((bsel, 1), jnp.float32),
        scratch_shapes=[
            pltpu.VMEM((2, blk, d), jnp.float32),
            pltpu.VMEM((2, blk, d), jnp.float32),
            pltpu.VMEM((2, blk, d), jnp.float32),
            pltpu.SemaphoreType.DMA,
            pltpu.SemaphoreType.DMA,
        ],
    )(src_sel.reshape(bsel), y_node.reshape(bsel),
      t, ef.reshape(bsel, 1), cn.reshape(bsel, 1), ci_pad,
      memory, community_embeddings,
      time_w.reshape(1, d), time_b.reshape(1, d),
      wza, wzb, wze.reshape(1, d), wzt, gru_Uz, gru_bz.reshape(1, d),
      wra, wrb, wre.reshape(1, d), wrt, gru_Ur, gru_br.reshape(1, d),
      wha, whb, whe.reshape(1, d), wht, gru_Uh, gru_bh.reshape(1, d),
      pred_W1[:d], pred_W1[d:], pred_b1.reshape(1, d),
      pred_W2.reshape(1, d), pred_b2.reshape(1, 1))
    return pred

# --- scband reference (transcript-rebuilt; emitter-appended) ---
"""Pipeline reference for scband-cdgp-44899588112462 (READ-ONLY COPY).

The authoritative reference and input builder live on the scoring server;
editing this copy changes nothing except your own understanding.
"""

import jax, jax.numpy as jnp
import numpy as np

N_NODES = 100000
N_EDGES = 1600000
MEM_DIM = 500
FEAT_DIM = 500
MSG_DIM = 2 * MEM_DIM + 1 + FEAT_DIM
COMM_NUM = 800
B = 2048
B_SEL = 1024


def setup_inputs(seed: int = 0) -> dict:
    key = jax.random.key(seed)
    ks = jax.random.split(key, 26)
    inp = {}
    inp["source_nodes"] = jax.random.randint(ks[0], (B,), 0, N_NODES)
    inp["destination_nodes"] = jax.random.randint(ks[1], (B,), 0, N_NODES)
    inp["edge_times"] = jax.random.uniform(ks[2], (B,), dtype=jnp.float32) * 10000.0
    inp["edge_idxs"] = jax.random.randint(ks[3], (B,), 0, N_EDGES)
    inp["index"] = jax.random.randint(ks[4], (B_SEL,), 0, B)
    inp["memory"] = jax.random.normal(ks[5], (N_NODES, MEM_DIM), dtype=jnp.float32)
    inp["community_embeddings"] = jax.random.normal(ks[6], (N_NODES, MEM_DIM), dtype=jnp.float32)
    inp["node2community"] = jax.random.randint(ks[7], (N_NODES,), 0, COMM_NUM)
    inp["community_index"] = jnp.arange(COMM_NUM)
    inp["edge_features"] = jax.random.normal(ks[8], (N_EDGES, 1), dtype=jnp.float32)
    inp["time_w"] = jax.random.normal(ks[9], (FEAT_DIM,), dtype=jnp.float32)
    inp["time_b"] = jax.random.normal(ks[10], (FEAT_DIM,), dtype=jnp.float32)
    s_in = 1.0 / np.sqrt(MSG_DIM)
    s_h = 1.0 / np.sqrt(MEM_DIM)
    inp["gru_Wz"] = jax.random.normal(ks[11], (MSG_DIM, MEM_DIM), dtype=jnp.float32) * s_in
    inp["gru_Uz"] = jax.random.normal(ks[12], (MEM_DIM, MEM_DIM), dtype=jnp.float32) * s_h
    inp["gru_bz"] = jnp.zeros((MEM_DIM,), dtype=jnp.float32)
    inp["gru_Wr"] = jax.random.normal(ks[13], (MSG_DIM, MEM_DIM), dtype=jnp.float32) * s_in
    inp["gru_Ur"] = jax.random.normal(ks[14], (MEM_DIM, MEM_DIM), dtype=jnp.float32) * s_h
    inp["gru_br"] = jnp.zeros((MEM_DIM,), dtype=jnp.float32)
    inp["gru_Wh"] = jax.random.normal(ks[15], (MSG_DIM, MEM_DIM), dtype=jnp.float32) * s_in
    inp["gru_Uh"] = jax.random.normal(ks[16], (MEM_DIM, MEM_DIM), dtype=jnp.float32) * s_h
    inp["gru_bh"] = jnp.zeros((MEM_DIM,), dtype=jnp.float32)
    inp["pred_W1"] = jax.random.normal(ks[17], (2 * MEM_DIM, MEM_DIM), dtype=jnp.float32) * (1.0 / np.sqrt(2 * MEM_DIM))
    inp["pred_b1"] = jnp.zeros((MEM_DIM,), dtype=jnp.float32)
    inp["pred_W2"] = jax.random.normal(ks[18], (MEM_DIM, 1), dtype=jnp.float32) * s_h
    inp["pred_b2"] = jnp.zeros((1,), dtype=jnp.float32)
    return inp


def reference(source_nodes, destination_nodes, edge_times, edge_idxs, index,
              memory, community_embeddings, node2community, community_index,
              edge_features, time_w, time_b,
              gru_Wz, gru_Uz, gru_bz, gru_Wr, gru_Ur, gru_br, gru_Wh, gru_Uh, gru_bh,
              pred_W1, pred_b1, pred_W2, pred_b2):
    # 1) gather memory for event endpoints
    src_mem = memory[source_nodes]
    dst_mem = memory[destination_nodes]
    # 2) raw messages: [src_mem | dst_mem | edge_feat | time_enc]
    e_feat = edge_features[edge_idxs]
    t_enc = jnp.cos(edge_times[:, None] * time_w[None, :] + time_b[None, :])
    src_msg = jnp.concatenate([src_mem, dst_mem, e_feat, t_enc], axis=1)
    dst_msg = jnp.concatenate([dst_mem, src_mem, e_feat, t_enc], axis=1)
    msg_nodes = jnp.concatenate([source_nodes, destination_nodes], axis=0)
    msgs = jnp.concatenate([src_msg, dst_msg], axis=0)
    # 3) GRU memory update ('last' aggregation: last write wins on scatter-set)
    h_old = memory[msg_nodes]
    z = jax.nn.sigmoid(msgs @ gru_Wz + h_old @ gru_Uz + gru_bz)
    r = jax.nn.sigmoid(msgs @ gru_Wr + h_old @ gru_Ur + gru_br)
    n = jnp.tanh(msgs @ gru_Wh + (r * h_old) @ gru_Uh + gru_bh)
    h_new = (1.0 - z) * n + z * h_old
    memory_new = memory.at[msg_nodes].set(h_new)
    # 4) community-aware prediction on selected events
    src_sel = source_nodes[index]
    src_emb = memory_new[src_sel]
    community_nodes = node2community[src_sel]
    use_index = (community_nodes[None, :] == community_index[:, None]).any(axis=0)
    comm_emb = community_embeddings[src_sel]
    x = jnp.concatenate([src_emb, comm_emb], axis=1)
    h1 = jax.nn.relu(x @ pred_W1 + pred_b1)
    pred = jax.nn.sigmoid(h1 @ pred_W2 + pred_b2)
    pred = jnp.where(use_index[:, None], pred, 0.0)
    return pred

if __name__ == "__main__":
    import jax
    _d = setup_inputs()
    print(jax.jit(kernel)(*tuple(_d.values())))

</pallas_src>

<mosaic_0001>
#map = affine_map<(d0, d1) -> (0)>
module attributes {stable_mosaic.version = 14 : i64} {
  func.func @sc_gather(%arg0: i32, %arg1: i32, %arg2: memref<100000xi32, #tpu.memory_space<hbm>>, %arg3: memref<1600000xf32, #tpu.memory_space<hbm>>, %arg4: memref<1024xi32, #tpu.memory_space<hbm>>, %arg5: memref<1024xi32, #tpu.memory_space<hbm>>, %arg6: memref<1024xi32, #tpu.memory_space<hbm>>, %arg7: memref<1024xf32, #tpu.memory_space<hbm>>, %arg8: memref<32xi32, #tpu.memory_space<vmem>>, %arg9: memref<32xi32, #tpu.memory_space<vmem>>, %arg10: memref<32xi32, #tpu.memory_space<vmem>>, %arg11: memref<32xf32, #tpu.memory_space<vmem>>, %arg12: memref<!tpu.dma_semaphore, #tpu.memory_space<semaphore_mem>>) attributes {dimension_semantics = [#tpu.dimension_semantics<core_parallel>, #tpu.dimension_semantics<subcore_parallel>], iteration_bounds = array<i64: 2, 16>, scalar_prefetch = 0 : i64, scratch_operands = 5 : i64, tpu.core_type = #tpu.core_type<sc_vector_subcore>, window_params = [{transform_indices = #map}, {transform_indices = #map}, {transform_indices = #map}, {transform_indices = #map}, {transform_indices = #map}, {transform_indices = #map}]} {
    %mul3A = arith.constant 2 : i32
    %mul3A_0 = arith.muli %arg1, %mul3A : i32
    %add3A = arith.addi %mul3A_0, %arg0 : i32
    %mul3A_1 = arith.constant 32 : i32
    %mul3A_2 = arith.muli %add3A, %mul3A_1 : i32
    "tpu.region"() ({
      %run_scoped3A = tpu.sem_alloc : memref<!tpu.dma_semaphore, #tpu.memory_space<semaphore_mem>>
      %dma_start3A_9 = tpu.memref_slice %arg4[%mul3A_2] : memref<1024xi32, #tpu.memory_space<hbm>> -> memref<32xi32, #tpu.memory_space<hbm>>
      %dma_start3A_10 = tpu.memref_slice %arg4[%mul3A_2] : memref<1024xi32, #tpu.memory_space<hbm>> -> memref<32xi32, #tpu.memory_space<hbm>>
      tpu.enqueue_dma source(%dma_start3A_10 : memref<32xi32, #tpu.memory_space<hbm>>) target(%arg8 : memref<32xi32, #tpu.memory_space<vmem>>) target_semaphore(%run_scoped3A : memref<!tpu.dma_semaphore, #tpu.memory_space<semaphore_mem>>)
      %dma_wait3A_11 = tpu.memref_slice %arg4[%mul3A_2] : memref<1024xi32, #tpu.memory_space<hbm>> -> memref<32xi32, #tpu.memory_space<hbm>>
      %dma_wait3A_12 = tpu.memref_slice %arg4[%mul3A_2] : memref<1024xi32, #tpu.memory_space<hbm>> -> memref<32xi32, #tpu.memory_space<hbm>>
      tpu.wait_dma2 semaphore(%run_scoped3A : memref<!tpu.dma_semaphore, #tpu.memory_space<semaphore_mem>>) src(%dma_wait3A_12 : memref<32xi32, #tpu.memory_space<hbm>>) dst(%arg8 : memref<32xi32, #tpu.memory_space<vmem>>)
      tpu.yield
    }) : () -> ()
    "tpu.region"() ({
      %run_scoped3A = tpu.sem_alloc : memref<!tpu.dma_semaphore, #tpu.memory_space<semaphore_mem>>
      %dma_start3A_9 = tpu.memref_slice %arg5[%mul3A_2] : memref<1024xi32, #tpu.memory_space<hbm>> -> memref<32xi32, #tpu.memory_space<hbm>>
      %dma_start3A_10 = tpu.memref_slice %arg5[%mul3A_2] : memref<1024xi32, #tpu.memory_space<hbm>> -> memref<32xi32, #tpu.memory_space<hbm>>
      tpu.enqueue_dma source(%dma_start3A_10 : memref<32xi32, #tpu.memory_space<hbm>>) target(%arg9 : memref<32xi32, #tpu.memory_space<vmem>>) target_semaphore(%run_scoped3A : memref<!tpu.dma_semaphore, #tpu.memory_space<semaphore_mem>>)
      %dma_wait3A_11 = tpu.memref_slice %arg5[%mul3A_2] : memref<1024xi32, #tpu.memory_space<hbm>> -> memref<32xi32, #tpu.memory_space<hbm>>
      %dma_wait3A_12 = tpu.memref_slice %arg5[%mul3A_2] : memref<1024xi32, #tpu.memory_space<hbm>> -> memref<32xi32, #tpu.memory_space<hbm>>
      tpu.wait_dma2 semaphore(%run_scoped3A : memref<!tpu.dma_semaphore, #tpu.memory_space<semaphore_mem>>) src(%dma_wait3A_12 : memref<32xi32, #tpu.memory_space<hbm>>) dst(%arg9 : memref<32xi32, #tpu.memory_space<vmem>>)
      tpu.yield
    }) : () -> ()
    %dma_start3A = arith.constant 0 : i32
    %dma_start3A_3 = tpu.memref_slice %arg2[%dma_start3A] : memref<100000xi32, #tpu.memory_space<hbm>> -> memref<100000xi32, #tpu.memory_space<hbm>>
    tpu.enqueue_indirect_dma source(%dma_start3A_3 : memref<100000xi32, #tpu.memory_space<hbm>>) target(%arg10 : memref<32xi32, #tpu.memory_space<vmem>>) offsets(%arg8 : memref<32xi32, #tpu.memory_space<vmem>>) semaphore(%arg12 : memref<!tpu.dma_semaphore, #tpu.memory_space<semaphore_mem>>)
    %dma_start3A_4 = arith.constant 0 : i32
    %dma_start3A_5 = tpu.memref_slice %arg3[%dma_start3A_4] : memref<1600000xf32, #tpu.memory_space<hbm>> -> memref<1600000xf32, #tpu.memory_space<hbm>>
    tpu.enqueue_indirect_dma source(%dma_start3A_5 : memref<1600000xf32, #tpu.memory_space<hbm>>) target(%arg11 : memref<32xf32, #tpu.memory_space<vmem>>) offsets(%arg9 : memref<32xi32, #tpu.memory_space<vmem>>) semaphore(%arg12 : memref<!tpu.dma_semaphore, #tpu.memory_space<semaphore_mem>>)
    %dma_wait3A = arith.constant 0 : i32
    %dma_wait3A_6 = tpu.memref_slice %arg2[%dma_wait3A] : memref<100000xi32, #tpu.memory_space<hbm>> -> memref<100000xi32, #tpu.memory_space<hbm>>
    tpu.wait_indirect_dma semaphore(%arg12 : memref<!tpu.dma_semaphore, #tpu.memory_space<semaphore_mem>>) src(%dma_wait3A_6 : memref<100000xi32, #tpu.memory_space<hbm>>) dst(%arg10 : memref<32xi32, #tpu.memory_space<vmem>>)
    %dma_wait3A_7 = arith.constant 0 : i32
    %dma_wait3A_8 = tpu.memref_slice %arg3[%dma_wait3A_7] : memref<1600000xf32, #tpu.memory_space<hbm>> -> memref<1600000xf32, #tpu.memory_space<hbm>>
    tpu.wait_indirect_dma semaphore(%arg12 : memref<!tpu.dma_semaphore, #tpu.memory_space<semaphore_mem>>) src(%dma_wait3A_8 : memref<1600000xf32, #tpu.memory_space<hbm>>) dst(%arg11 : memref<32xf32, #tpu.memory_space<vmem>>)
    "tpu.region"() ({
      %run_scoped3A = tpu.sem_alloc : memref<!tpu.dma_semaphore, #tpu.memory_space<semaphore_mem>>
      %dma_start3A_9 = tpu.memref_slice %arg6[%mul3A_2] : memref<1024xi32, #tpu.memory_space<hbm>> -> memref<32xi32, #tpu.memory_space<hbm>>
      %dma_start3A_10 = tpu.memref_slice %arg6[%mul3A_2] : memref<1024xi32, #tpu.memory_space<hbm>> -> memref<32xi32, #tpu.memory_space<hbm>>
      tpu.enqueue_dma source(%arg10 : memref<32xi32, #tpu.memory_space<vmem>>) target(%dma_start3A_10 : memref<32xi32, #tpu.memory_space<hbm>>) target_semaphore(%run_scoped3A : memref<!tpu.dma_semaphore, #tpu.memory_space<semaphore_mem>>)
      %dma_wait3A_11 = tpu.memref_slice %arg6[%mul3A_2] : memref<1024xi32, #tpu.memory_space<hbm>> -> memref<32xi32, #tpu.memory_space<hbm>>
      %dma_wait3A_12 = tpu.memref_slice %arg6[%mul3A_2] : memref<1024xi32, #tpu.memory_space<hbm>> -> memref<32xi32, #tpu.memory_space<hbm>>
      tpu.wait_dma2 semaphore(%run_scoped3A : memref<!tpu.dma_semaphore, #tpu.memory_space<semaphore_mem>>) src(%arg10 : memref<32xi32, #tpu.memory_space<vmem>>) dst(%dma_wait3A_12 : memref<32xi32, #tpu.memory_space<hbm>>)
      tpu.yield
    }) : () -> ()
    "tpu.region"() ({
      %run_scoped3A = tpu.sem_alloc : memref<!tpu.dma_semaphore, #tpu.memory_space<semaphore_mem>>
      %dma_start3A_9 = tpu.memref_slice %arg7[%mul3A_2] : memref<1024xf32, #tpu.memory_space<hbm>> -> memref<32xf32, #tpu.memory_space<hbm>>
      %dma_start3A_10 = tpu.memref_slice %arg7[%mul3A_2] : memref<1024xf32, #tpu.memory_space<hbm>> -> memref<32xf32, #tpu.memory_space<hbm>>
      tpu.enqueue_dma source(%arg11 : memref<32xf32, #tpu.memory_space<vmem>>) target(%dma_start3A_10 : memref<32xf32, #tpu.memory_space<hbm>>) target_semaphore(%run_scoped3A : memref<!tpu.dma_semaphore, #tpu.memory_space<semaphore_mem>>)
      %dma_wait3A_11 = tpu.memref_slice %arg7[%mul3A_2] : memref<1024xf32, #tpu.memory_space<hbm>> -> memref<32xf32, #tpu.memory_space<hbm>>
      %dma_wait3A_12 = tpu.memref_slice %arg7[%mul3A_2] : memref<1024xf32, #tpu.memory_space<hbm>> -> memref<32xf32, #tpu.memory_space<hbm>>
      tpu.wait_dma2 semaphore(%run_scoped3A : memref<!tpu.dma_semaphore, #tpu.memory_space<semaphore_mem>>) src(%arg11 : memref<32xf32, #tpu.memory_space<vmem>>) dst(%dma_wait3A_12 : memref<32xf32, #tpu.memory_space<hbm>>)
      tpu.yield
    }) : () -> ()
    return
  }
}

module attributes {stable_mosaic.version = 14 : i64} {
  func.func @_index_body(%arg0: i32, %arg1: memref<1x2048xi32, #tpu.memory_space<vmem>>, %arg2: memref<1x2048xi32, #tpu.memory_space<vmem>>, %arg3: memref<256x1xi32, #tpu.memory_space<vmem>>, %arg4: memref<1x2048xi32, #tpu.memory_space<vmem>>, %arg5: memref<1x2048xf32, #tpu.memory_space<vmem>>, %arg6: memref<256x1xi32, #tpu.memory_space<vmem>>, %arg7: memref<256x1xi32, #tpu.memory_space<vmem>>, %arg8: memref<256x1xi32, #tpu.memory_space<vmem>>, %arg9: memref<256x1xf32, #tpu.memory_space<vmem>>) attributes {dimension_semantics = [#tpu.dimension_semantics<arbitrary>], iteration_bounds = array<i64: 4>, scalar_prefetch = 0 : i64, scratch_operands = 0 : i64, tpu.core_type = #tpu.core_type<tc>, window_params = [{pipeline_mode = #tpu.pipeline_mode<synchronous>, transform_indices = @transform_0, window_bounds = array<i64: 1, 2048>}, {pipeline_mode = #tpu.pipeline_mode<synchronous>, transform_indices = @transform_1, window_bounds = array<i64: 1, 2048>}, {transform_indices = @transform_2, window_bounds = array<i64: 256, 1>}, {pipeline_mode = #tpu.pipeline_mode<synchronous>, transform_indices = @transform_3, window_bounds = array<i64: 1, 2048>}, {pipeline_mode = #tpu.pipeline_mode<synchronous>, transform_indices = @transform_4, window_bounds = array<i64: 1, 2048>}, {transform_indices = @transform_5, window_bounds = array<i64: 256, 1>}, {transform_indices = @transform_6, window_bounds = array<i64: 256, 1>}, {transform_indices = @transform_7, window_bounds = array<i64: 256, 1>}, {transform_indices = @transform_8, window_bounds = array<i64: 256, 1>}]} {
    %get3A = arith.constant 0 : index
    %get3A_0 = arith.constant 0 : index
    %get3A_1 = vector.load %arg1[%get3A, %get3A_0] : memref<1x2048xi32, #tpu.memory_space<vmem>>, vector<1x2048xi32>
    %get3A_2 = arith.constant 0 : index
    %get3A_3 = arith.constant 0 : index
    %get3A_4 = vector.load %arg2[%get3A_2, %get3A_3] : memref<1x2048xi32, #tpu.memory_space<vmem>>, vector<1x2048xi32>
    %get3A_5 = arith.constant 0 : index
    %get3A_6 = arith.constant 0 : index
    %get3A_7 = vector.load %arg3[%get3A_5, %get3A_6] : memref<256x1xi32, #tpu.memory_space<vmem>>, vector<256x1xi32>
    %get3A_8 = arith.constant 0 : index
    %get3A_9 = arith.constant 0 : index
    %get3A_10 = vector.load %arg4[%get3A_8, %get3A_9] : memref<1x2048xi32, #tpu.memory_space<vmem>>, vector<1x2048xi32>
    %get3A_11 = arith.constant 0 : index
    %get3A_12 = arith.constant 0 : index
    %get3A_13 = vector.load %arg5[%get3A_11, %get3A_12] : memref<1x2048xf32, #tpu.memory_space<vmem>>, vector<1x2048xf32>
    %iota3A = tpu.iota {dimensions = array<i32: 1>} : vector<1x2048xi32>
    %eq3A = vector.broadcast %get3A_7 : vector<256x1xi32> to vector<256x2048xi32>
    %eq3A_14 = vector.broadcast %iota3A : vector<1x2048xi32> to vector<256x2048xi32>
    %eq3A_15 = arith.cmpi eq, %eq3A, %eq3A_14 : vector<256x2048xi32>
    %jit3A = arith.constant -1 : i32
    %broadcast_in_dim3A = vector.shape_cast %get3A_1 : vector<1x2048xi32> to vector<1x2048xi32>
    %broadcast_in_dim3A_16 = vector.broadcast %broadcast_in_dim3A : vector<1x2048xi32> to vector<256x2048xi32>
    %broadcast_in_dim3A_17 = vector.broadcast %jit3A : i32 to vector<256x2048xi32>
    %select_n3A = arith.select %eq3A_15, %broadcast_in_dim3A_16, %broadcast_in_dim3A_17 : vector<256x2048xi1>, vector<256x2048xi32>
    %reduce_max3A = arith.constant dense<-2147483648> : vector<256xi32>
    %reduce_max3A_18 = vector.multi_reduction <maxsi>, %select_n3A, %reduce_max3A [1] : vector<256x2048xi32> to vector<256xi32>
    %broadcast_in_dim3A_19 = vector.shape_cast %reduce_max3A_18 : vector<256xi32> to vector<256x1xi32>
    %eq3A_20 = vector.broadcast %broadcast_in_dim3A_19 : vector<256x1xi32> to vector<256x2048xi32>
    %eq3A_21 = vector.broadcast %get3A_1 : vector<1x2048xi32> to vector<256x2048xi32>
    %eq3A_22 = arith.cmpi eq, %eq3A_20, %eq3A_21 : vector<256x2048xi32>
    %jit3A_23 = arith.constant -1 : i32
    %broadcast_in_dim3A_24 = vector.shape_cast %iota3A : vector<1x2048xi32> to vector<1x2048xi32>
    %broadcast_in_dim3A_25 = vector.broadcast %broadcast_in_dim3A_24 : vector<1x2048xi32> to vector<256x2048xi32>
    %broadcast_in_dim3A_26 = vector.broadcast %jit3A_23 : i32 to vector<256x2048xi32>
    %select_n3A_27 = arith.select %eq3A_22, %broadcast_in_dim3A_25, %broadcast_in_dim3A_26 : vector<256x2048xi1>, vector<256x2048xi32>
    %reduce_max3A_28 = arith.constant dense<-2147483648> : vector<256xi32>
    %reduce_max3A_29 = vector.multi_reduction <maxsi>, %select_n3A_27, %reduce_max3A_28 [1] : vector<256x2048xi32> to vector<256xi32>
    %broadcast_in_dim3A_30 = vector.shape_cast %reduce_max3A_29 : vector<256xi32> to vector<256x1xi32>
    %eq3A_31 = vector.broadcast %broadcast_in_dim3A_19 : vector<256x1xi32> to vector<256x2048xi32>
    %eq3A_32 = vector.broadcast %get3A_4 : vector<1x2048xi32> to vector<256x2048xi32>
    %eq3A_33 = arith.cmpi eq, %eq3A_31, %eq3A_32 : vector<256x2048xi32>
    %jit3A_34 = arith.constant -1 : i32
    %broadcast_in_dim3A_35 = vector.shape_cast %iota3A : vector<1x2048xi32> to vector<1x2048xi32>
    %broadcast_in_dim3A_36 = vector.broadcast %broadcast_in_dim3A_35 : vector<1x2048xi32> to vector<256x2048xi32>
    %broadcast_in_dim3A_37 = vector.broadcast %jit3A_34 : i32 to vector<256x2048xi32>
    %select_n3A_38 = arith.select %eq3A_33, %broadcast_in_dim3A_36, %broadcast_in_dim3A_37 : vector<256x2048xi1>, vector<256x2048xi32>
    %reduce_max3A_39 = arith.constant dense<-2147483648> : vector<256xi32>
    %reduce_max3A_40 = vector.multi_reduction <maxsi>, %select_n3A_38, %reduce_max3A_39 [1] : vector<256x2048xi32> to vector<256xi32>
    %broadcast_in_dim3A_41 = vector.shape_cast %reduce_max3A_40 : vector<256xi32> to vector<256x1xi32>
    %ge3A = arith.constant 0 : i32
    %ge3A_42 = vector.broadcast %ge3A : i32 to vector<256x1xi32>
    %ge3A_43 = arith.cmpi sge, %broadcast_in_dim3A_41, %ge3A_42 : vector<256x1xi32>
    %add3A = arith.constant 2048 : i32
    %add3A_44 = vector.broadcast %add3A : i32 to vector<256x1xi32>
    %add3A_45 = arith.addi %broadcast_in_dim3A_41, %add3A_44 : vector<256x1xi32>
    %jit3A_46 = arith.constant -1 : i32
    %broadcast_in_dim3A_47 = vector.broadcast %jit3A_46 : i32 to vector<256x1xi32>
    %select_n3A_48 = arith.select %ge3A_43, %add3A_45, %broadcast_in_dim3A_47 : vector<256x1xi1>, vector<256x1xi32>
    %max3A = arith.maxsi %broadcast_in_dim3A_30, %select_n3A_48 : vector<256x1xi32>
    %ge3A_49 = arith.constant 2048 : i32
    %ge3A_50 = vector.broadcast %ge3A_49 : i32 to vector<256x1xi32>
    %ge3A_51 = arith.cmpi sge, %max3A, %ge3A_50 : vector<256x1xi32>
    %sub3A = arith.constant 2048 : i32
    %sub3A_52 = vector.broadcast %sub3A : i32 to vector<256x1xi32>
    %sub3A_53 = arith.subi %max3A, %sub3A_52 : vector<256x1xi32>
    %select_n3A_54 = arith.select %ge3A_51, %sub3A_53, %max3A : vector<256x1xi1>, vector<256x1xi32>
    %eq3A_55 = vector.broadcast %select_n3A_54 : vector<256x1xi32> to vector<256x2048xi32>
    %eq3A_56 = vector.broadcast %iota3A : vector<1x2048xi32> to vector<256x2048xi32>
    %eq3A_57 = arith.cmpi eq, %eq3A_55, %eq3A_56 : vector<256x2048xi32>
    %jit3A_58 = arith.constant -1 : i32
    %broadcast_in_dim3A_59 = vector.shape_cast %get3A_4 : vector<1x2048xi32> to vector<1x2048xi32>
    %broadcast_in_dim3A_60 = vector.broadcast %broadcast_in_dim3A_59 : vector<1x2048xi32> to vector<256x2048xi32>
    %broadcast_in_dim3A_61 = vector.broadcast %jit3A_58 : i32 to vector<256x2048xi32>
    %select_n3A_62 = arith.select %eq3A_57, %broadcast_in_dim3A_60, %broadcast_in_dim3A_61 : vector<256x2048xi1>, vector<256x2048xi32>
    %reduce_max3A_63 = arith.constant dense<-2147483648> : vector<256xi32>
    %reduce_max3A_64 = vector.multi_reduction <maxsi>, %select_n3A_62, %reduce_max3A_63 [1] : vector<256x2048xi32> to vector<256xi32>
    %broadcast_in_dim3A_65 = vector.shape_cast %reduce_max3A_64 : vector<256xi32> to vector<256x1xi32>
    %jit3A_66 = arith.constant -1 : i32
    %broadcast_in_dim3A_67 = vector.shape_cast %get3A_1 : vector<1x2048xi32> to vector<1x2048xi32>
    %broadcast_in_dim3A_68 = vector.broadcast %broadcast_in_dim3A_67 : vector<1x2048xi32> to vector<256x2048xi32>
    %broadcast_in_dim3A_69 = vector.broadcast %jit3A_66 : i32 to vector<256x2048xi32>
    %select_n3A_70 = arith.select %eq3A_57, %broadcast_in_dim3A_68, %broadcast_in_dim3A_69 : vector<256x2048xi1>, vector<256x2048xi32>
    %reduce_max3A_71 = arith.constant dense<-2147483648> : vector<256xi32>
    %reduce_max3A_72 = vector.multi_reduction <maxsi>, %select_n3A_70, %reduce_max3A_71 [1] : vector<256x2048xi32> to vector<256xi32>
    %broadcast_in_dim3A_73 = vector.shape_cast %reduce_max3A_72 : vector<256xi32> to vector<256x1xi32>
    %select_n3A_74 = arith.select %ge3A_51, %broadcast_in_dim3A_73, %broadcast_in_dim3A_65 : vector<256x1xi1>, vector<256x1xi32>
    %jit3A_75 = arith.constant -1 : i32
    %broadcast_in_dim3A_76 = vector.shape_cast %get3A_10 : vector<1x2048xi32> to vector<1x2048xi32>
    %broadcast_in_dim3A_77 = vector.broadcast %broadcast_in_dim3A_76 : vector<1x2048xi32> to vector<256x2048xi32>
    %broadcast_in_dim3A_78 = vector.broadcast %jit3A_75 : i32 to vector<256x2048xi32>
    %select_n3A_79 = arith.select %eq3A_57, %broadcast_in_dim3A_77, %broadcast_in_dim3A_78 : vector<256x2048xi1>, vector<256x2048xi32>
    %reduce_max3A_80 = arith.constant dense<-2147483648> : vector<256xi32>
    %reduce_max3A_81 = vector.multi_reduction <maxsi>, %select_n3A_79, %reduce_max3A_80 [1] : vector<256x2048xi32> to vector<256xi32>
    %broadcast_in_dim3A_82 = vector.shape_cast %reduce_max3A_81 : vector<256xi32> to vector<256x1xi32>
    %jit3A_83 = arith.constant -1.000000e+00 : f32
    %broadcast_in_dim3A_84 = vector.shape_cast %get3A_13 : vector<1x2048xf32> to vector<1x2048xf32>
    %broadcast_in_dim3A_85 = vector.broadcast %broadcast_in_dim3A_84 : vector<1x2048xf32> to vector<256x2048xf32>
    %broadcast_in_dim3A_86 = vector.broadcast %jit3A_83 : f32 to vector<256x2048xf32>
    %select_n3A_87 = arith.select %eq3A_57, %broadcast_in_dim3A_85, %broadcast_in_dim3A_86 : vector<256x2048xi1>, vector<256x2048xf32>
    %reduce_max3A_88 = arith.constant dense<0xFF800000> : vector<256xf32>
    %reduce_max3A_89 = vector.multi_reduction <maximumf>, %select_n3A_87, %reduce_max3A_88 [1] : vector<256x2048xf32> to vector<256xf32>
    %broadcast_in_dim3A_90 = vector.shape_cast %reduce_max3A_89 : vector<256xf32> to vector<256x1xf32>
    %swap3A = arith.constant 0 : index
    %swap3A_91 = arith.constant 0 : index
    %swap3A_92 = vector.load %arg6[%swap3A, %swap3A_91] : memref<256x1xi32, #tpu.memory_space<vmem>>, vector<256x1xi32>
    tpu.vector_store %arg6[%swap3A, %swap3A_91], %broadcast_in_dim3A_19 {strides = array<i32>} : memref<256x1xi32, #tpu.memory_space<vmem>>, vector<256x1xi32>,
    %swap3A_93 = arith.constant 0 : index
    %swap3A_94 = arith.constant 0 : index
    %swap3A_95 = vector.load %arg7[%swap3A_93, %swap3A_94] : memref<256x1xi32, #tpu.memory_space<vmem>>, vector<256x1xi32>
    tpu.vector_store %arg7[%swap3A_93, %swap3A_94], %select_n3A_74 {strides = array<i32>} : memref<256x1xi32, #tpu.memory_space<vmem>>, vector<256x1xi32>,
    %swap3A_96 = arith.constant 0 : index
    %swap3A_97 = arith.constant 0 : index
    %swap3A_98 = vector.load %arg8[%swap3A_96, %swap3A_97] : memref<256x1xi32, #tpu.memory_space<vmem>>, vector<256x1xi32>
    tpu.vector_store %arg8[%swap3A_96, %swap3A_97], %broadcast_in_dim3A_82 {strides = array<i32>} : memref<256x1xi32, #tpu.memory_space<vmem>>, vector<256x1xi32>,
    %swap3A_99 = arith.constant 0 : index
    %swap3A_100 = arith.constant 0 : index
    %swap3A_101 = vector.load %arg9[%swap3A_99, %swap3A_100] : memref<256x1xf32, #tpu.memory_space<vmem>>, vector<256x1xf32>
    tpu.vector_store %arg9[%swap3A_99, %swap3A_100], %broadcast_in_dim3A_90 {strides = array<i32>} : memref<256x1xf32, #tpu.memory_space<vmem>>, vector<256x1xf32>,
    return
  }
  func.func @transform_0(%arg0: i32) -> (i32, i32) {
    %c0_i32 = arith.constant 0 : i32
    %c0_i32_0 = arith.constant 0 : i32
    %c0_i32_1 = arith.constant 0 : i32
    return %c0_i32, %c0_i32_0 : i32, i32
  }
  func.func @transform_1(%arg0: i32) -> (i32, i32) {
    %c0_i32 = arith.constant 0 : i32
    %c0_i32_0 = arith.constant 0 : i32
    %c0_i32_1 = arith.constant 0 : i32
    return %c0_i32, %c0_i32_0 : i32, i32
  }
  func.func @transform_2(%arg0: i32) -> (i32, i32) {
    %c0_i32 = arith.constant 0 : i32
    %c0_i32_0 = arith.constant 0 : i32
    return %arg0, %c0_i32 : i32, i32
  }
  func.func @transform_3(%arg0: i32) -> (i32, i32) {
    %c0_i32 = arith.constant 0 : i32
    %c0_i32_0 = arith.constant 0 : i32
    %c0_i32_1 = arith.constant 0 : i32
    return %c0_i32, %c0_i32_0 : i32, i32
  }
  func.func @transform_4(%arg0: i32) -> (i32, i32) {
    %c0_i32 = arith.constant 0 : i32
    %c0_i32_0 = arith.constant 0 : i32
    %c0_i32_1 = arith.constant 0 : i32
    return %c0_i32, %c0_i32_0 : i32, i32
  }
  func.func @transform_5(%arg0: i32) -> (i32, i32) {
    %c0_i32 = arith.constant 0 : i32
    %c0_i32_0 = arith.constant 0 : i32
    return %arg0, %c0_i32 : i32, i32
  }
  func.func @transform_6(%arg0: i32) -> (i32, i32) {
    %c0_i32 = arith.constant 0 : i32
    %c0_i32_0 = arith.constant 0 : i32
    return %arg0, %c0_i32 : i32, i32
  }
  func.func @transform_7(%arg0: i32) -> (i32, i32) {
    %c0_i32 = arith.constant 0 : i32
    %c0_i32_0 = arith.constant 0 : i32
    return %arg0, %c0_i32 : i32, i32
  }
  func.func @transform_8(%arg0: i32) -> (i32, i32) {
    %c0_i32 = arith.constant 0 : i32
    %c0_i32_0 = arith.constant 0 : i32
    return %arg0, %c0_i32 : i32, i32
  }
}

module attributes {stable_mosaic.version = 14 : i64} {
  func.func @_fused_body(%arg0: i32, %arg1: memref<1024xi32, #tpu.memory_space<smem>>, %arg2: memref<1024xi32, #tpu.memory_space<smem>>, %arg3: memref<256x1xf32, #tpu.memory_space<vmem>>, %arg4: memref<256x1xf32, #tpu.memory_space<vmem>>, %arg5: memref<256x1xi32, #tpu.memory_space<vmem>>, %arg6: memref<1x1024xi32, #tpu.memory_space<vmem>>, %arg7: memref<100000x500xf32, #tpu.memory_space<any>>, %arg8: memref<100000x500xf32, #tpu.memory_space<any>>, %arg9: memref<1x500xf32, #tpu.memory_space<vmem>>, %arg10: memref<1x500xf32, #tpu.memory_space<vmem>>, %arg11: memref<500x500xf32, #tpu.memory_space<vmem>>, %arg12: memref<500x500xf32, #tpu.memory_space<vmem>>, %arg13: memref<1x500xf32, #tpu.memory_space<vmem>>, %arg14: memref<500x500xf32, #tpu.memory_space<vmem>>, %arg15: memref<500x500xf32, #tpu.memory_space<vmem>>, %arg16: memref<1x500xf32, #tpu.memory_space<vmem>>, %arg17: memref<500x500xf32, #tpu.memory_space<vmem>>, %arg18: memref<500x500xf32, #tpu.memory_space<vmem>>, %arg19: memref<1x500xf32, #tpu.memory_space<vmem>>, %arg20: memref<500x500xf32, #tpu.memory_space<vmem>>, %arg21: memref<500x500xf32, #tpu.memory_space<vmem>>, %arg22: memref<1x500xf32, #tpu.memory_space<vmem>>, %arg23: memref<500x500xf32, #tpu.memory_space<vmem>>, %arg24: memref<500x500xf32, #tpu.memory_space<vmem>>, %arg25: memref<1x500xf32, #tpu.memory_space<vmem>>, %arg26: memref<500x500xf32, #tpu.memory_space<vmem>>, %arg27: memref<500x500xf32, #tpu.memory_space<vmem>>, %arg28: memref<1x500xf32, #tpu.memory_space<vmem>>, %arg29: memref<500x500xf32, #tpu.memory_space<vmem>>, %arg30: memref<500x500xf32, #tpu.memory_space<vmem>>, %arg31: memref<1x500xf32, #tpu.memory_space<vmem>>, %arg32: memref<1x500xf32, #tpu.memory_space<vmem>>, %arg33: memref<1x1xf32, #tpu.memory_space<vmem>>, %arg34: memref<256x1xf32, #tpu.memory_space<vmem>>, %arg35: memref<2x256x500xf32, #tpu.memory_space<vmem>>, %arg36: memref<2x256x500xf32, #tpu.memory_space<vmem>>, %arg37: memref<2x256x500xf32, #tpu.memory_space<vmem>>, %arg38: memref<!tpu.dma_semaphore, #tpu.memory_space<semaphore_mem>>, %arg39: memref<!tpu.dma_semaphore, #tpu.memory_space<semaphore_mem>>) attributes {dimension_semantics = [#tpu.dimension_semantics<arbitrary>], iteration_bounds = array<i64: 4>, scalar_prefetch = 0 : i64, scratch_operands = 5 : i64, tpu.core_type = #tpu.core_type<tc>, window_params = [{transform_indices = @transform_0, window_bounds = array<i64: 1024>}, {transform_indices = @transform_1, window_bounds = array<i64: 1024>}, {transform_indices = @transform_2, window_bounds = array<i64: 256, 1>}, {transform_indices = @transform_3, window_bounds = array<i64: 256, 1>}, {transform_indices = @transform_4, window_bounds = array<i64: 256, 1>}, {pipeline_mode = #tpu.pipeline_mode<synchronous>, transform_indices = @transform_5, window_bounds = array<i64: 1, 1024>}, {}, {}, {pipeline_mode = #tpu.pipeline_mode<synchronous>, transform_indices = @transform_8, window_bounds = array<i64: 1, 500>}, {pipeline_mode = #tpu.pipeline_mode<synchronous>, transform_indices = @transform_9, window_bounds = array<i64: 1, 500>}, {pipeline_mode = #tpu.pipeline_mode<synchronous>, transform_indices = @transform_10, window_bounds = array<i64: 500, 500>}, {pipeline_mode = #tpu.pipeline_mode<synchronous>, transform_indices = @transform_11, window_bounds = array<i64: 500, 500>}, {pipeline_mode = #tpu.pipeline_mode<synchronous>, transform_indices = @transform_12, window_bounds = array<i64: 1, 500>}, {pipeline_mode = #tpu.pipeline_mode<synchronous>, transform_indices = @transform_13, window_bounds = array<i64: 500, 500>}, {pipeline_mode = #tpu.pipeline_mode<synchronous>, transform_indices = @transform_14, window_bounds = array<i64: 500, 500>}, {pipeline_mode = #tpu.pipeline_mode<synchronous>, transform_indices = @transform_15, window_bounds = array<i64: 1, 500>}, {pipeline_mode = #tpu.pipeline_mode<synchronous>, transform_indices = @transform_16, window_bounds = array<i64: 500, 500>}, {pipeline_mode = #tpu.pipeline_mode<synchronous>, transform_indices = @transform_17, window_bounds = array<i64: 500, 500>}, {pipeline_mode = #tpu.pipeline_mode<synchronous>, transform_indices = @transform_18, window_bounds = array<i64: 1, 500>}, {pipeline_mode = #tpu.pipeline_mode<synchronous>, transform_indices = @transform_19, window_bounds = array<i64: 500, 500>}, {pipeline_mode = #tpu.pipeline_mode<synchronous>, transform_indices = @transform_20, window_bounds = array<i64: 500, 500>}, {pipeline_mode = #tpu.pipeline_mode<synchronous>, transform_indices = @transform_21, window_bounds = array<i64: 1, 500>}, {pipeline_mode = #tpu.pipeline_mode<synchronous>, transform_indices = @transform_22, window_bounds = array<i64: 500, 500>}, {pipeline_mode = #tpu.pipeline_mode<synchronous>, transform_indices = @transform_23, window_bounds = array<i64: 500, 500>}, {pipeline_mode = #tpu.pipeline_mode<synchronous>, transform_indices = @transform_24, window_bounds = array<i64: 1, 500>}, {pipeline_mode = #tpu.pipeline_mode<synchronous>, transform_indices = @transform_25, window_bounds = array<i64: 500, 500>}, {pipeline_mode = #tpu.pipeline_mode<synchronous>, transform_indices = @transform_26, window_bounds = array<i64: 500, 500>}, {pipeline_mode = #tpu.pipeline_mode<synchronous>, transform_indices = @transform_27, window_bounds = array<i64: 1, 500>}, {pipeline_mode = #tpu.pipeline_mode<synchronous>, transform_indices = @transform_28, window_bounds = array<i64: 500, 500>}, {pipeline_mode = #tpu.pipeline_mode<synchronous>, transform_indices = @transform_29, window_bounds = array<i64: 500, 500>}, {pipeline_mode = #tpu.pipeline_mode<synchronous>, transform_indices = @transform_30, window_bounds = array<i64: 1, 500>}, {pipeline_mode = #tpu.pipeline_mode<synchronous>, transform_indices = @transform_31, window_bounds = array<i64: 1, 500>}, {pipeline_mode = #tpu.pipeline_mode<synchronous>, transform_indices = @transform_32, window_bounds = array<i64: 1, 1>}, {transform_indices = @transform_33, window_bounds = array<i64: 256, 1>}]} {
    %eq3A = arith.constant 0 : i32
    %eq3A_0 = arith.cmpi eq, %arg0, %eq3A : i32
    %convert_element_type3A = arith.extui %eq3A_0 : i1 to i32
    %cond3A = arith.constant 0 : i32
    %cond3A_1 = arith.cmpi ne, %convert_element_type3A, %cond3A : i32
    scf.if %cond3A_1 {
      %scan3A = arith.constant 0 : i32
      %scan3A_240 = arith.constant 0 : i32
      %scan3A_241 = arith.constant 32 : i32
      %scan3A_242 = arith.addi %scan3A_240, %scan3A_241 : i32
      %scan3A_243 = arith.constant 1 : i32
      scf.for %scan3A_251 = %scan3A_240 to %scan3A_242 step %scan3A_243  : i32 {
        %mul3A_252 = arith.constant 256 : i32
        %mul3A_253 = arith.muli %scan3A, %mul3A_252 : i32
        %mul3A_254 = arith.constant 8 : i32
        %mul3A_255 = arith.muli %scan3A_251, %mul3A_254 : i32
        %add3A_256 = arith.addi %mul3A_253, %mul3A_255 : i32
        %add3A_257 = arith.constant 0 : i32
        %add3A_258 = arith.addi %add3A_256, %add3A_257 : i32
        %mul3A_259 = arith.constant 8 : i32
        %mul3A_260 = arith.muli %scan3A_251, %mul3A_259 : i32
        %add3A_261 = arith.constant 0 : i32
        %add3A_262 = arith.addi %mul3A_260, %add3A_261 : i32
        %get3A_263 = arith.index_cast %add3A_258 : i32 to index
        %get3A_264 = memref.load %arg1[%get3A_263] : memref<1024xi32, #tpu.memory_space<smem>>
        %get3A_265 = arith.index_cast %add3A_258 : i32 to index
        %get3A_266 = memref.load %arg2[%get3A_265] : memref<1024xi32, #tpu.memory_space<smem>>
        %dma_start3A = arith.constant 0 : i32
        %dma_start3A_267 = arith.constant 0 : i32
        %dma_start3A_268 = tpu.memref_slice %arg35[%dma_start3A, %add3A_262, %dma_start3A_267] : memref<2x256x500xf32, #tpu.memory_space<vmem>> -> memref<1x1x500xf32, #tpu.memory_space<vmem>>
        %dma_start3A_269 = tpu.memref_squeeze %dma_start3A_268 : memref<1x1x500xf32, #tpu.memory_space<vmem>> -> memref<1x500xf32, #tpu.memory_space<vmem>>
        %dma_start3A_270 = arith.constant 0 : i32
        %dma_start3A_271 = tpu.memref_slice %arg7[%get3A_264, %dma_start3A_270] : memref<100000x500xf32, #tpu.memory_space<any>> -> memref<1x500xf32, #tpu.memory_space<any>>
        tpu.enqueue_dma source(%dma_start3A_271 : memref<1x500xf32, #tpu.memory_space<any>>) target(%dma_start3A_269 : memref<1x500xf32, #tpu.memory_space<vmem>>) target_semaphore(%arg38 : memref<!tpu.dma_semaphore, #tpu.memory_space<semaphore_mem>>)
        %dma_start3A_272 = arith.constant 0 : i32
        %dma_start3A_273 = arith.constant 0 : i32
        %dma_start3A_274 = tpu.memref_slice %arg37[%dma_start3A_272, %add3A_262, %dma_start3A_273] : memref<2x256x500xf32, #tpu.memory_space<vmem>> -> memref<1x1x500xf32, #tpu.memory_space<vmem>>
        %dma_start3A_275 = tpu.memref_squeeze %dma_start3A_274 : memref<1x1x500xf32, #tpu.memory_space<vmem>> -> memref<1x500xf32, #tpu.memory_space<vmem>>
        %dma_start3A_276 = arith.constant 0 : i32
        %dma_start3A_277 = tpu.memref_slice %arg8[%get3A_264, %dma_start3A_276] : memref<100000x500xf32, #tpu.memory_space<any>> -> memref<1x500xf32, #tpu.memory_space<any>>
        tpu.enqueue_dma source(%dma_start3A_277 : memref<1x500xf32, #tpu.memory_space<any>>) target(%dma_start3A_275 : memref<1x500xf32, #tpu.memory_space<vmem>>) target_semaphore(%arg38 : memref<!tpu.dma_semaphore, #tpu.memory_space<semaphore_mem>>)
        %dma_start3A_278 = arith.constant 0 : i32
        %dma_start3A_279 = arith.constant 0 : i32
        %dma_start3A_280 = tpu.memref_slice %arg36[%dma_start3A_278, %add3A_262, %dma_start3A_279] : memref<2x256x500xf32, #tpu.memory_space<vmem>> -> memref<1x1x500xf32, #tpu.memory_space<vmem>>
        %dma_start3A_281 = tpu.memref_squeeze %dma_start3A_280 : memref<1x1x500xf32, #tpu.memory_space<vmem>> -> memref<1x500xf32, #tpu.memory_space<vmem>>
        %dma_start3A_282 = arith.constant 0 : i32
        %dma_start3A_283 = tpu.memref_slice %arg7[%get3A_266, %dma_start3A_282] : memref<100000x500xf32, #tpu.memory_space<any>> -> memref<1x500xf32, #tpu.memory_space<any>>
        tpu.enqueue_dma source(%dma_start3A_283 : memref<1x500xf32, #tpu.memory_space<any>>) target(%dma_start3A_281 : memref<1x500xf32, #tpu.memory_space<vmem>>) target_semaphore(%arg38 : memref<!tpu.dma_semaphore, #tpu.memory_space<semaphore_mem>>)
        %add3A_284 = arith.constant 1 : i32
        %add3A_285 = arith.addi %add3A_256, %add3A_284 : i32
        %mul3A_286 = arith.constant 8 : i32
        %mul3A_287 = arith.muli %scan3A_251, %mul3A_286 : i32
        %add3A_288 = arith.constant 1 : i32
        %add3A_289 = arith.addi %mul3A_287, %add3A_288 : i32
        %get3A_290 = arith.index_cast %add3A_285 : i32 to index
        %get3A_291 = memref.load %arg1[%get3A_290] : memref<1024xi32, #tpu.memory_space<smem>>
        %get3A_292 = arith.index_cast %add3A_285 : i32 to index
        %get3A_293 = memref.load %arg2[%get3A_292] : memref<1024xi32, #tpu.memory_space<smem>>
        %dma_start3A_294 = arith.constant 0 : i32
        %dma_start3A_295 = arith.constant 0 : i32
        %dma_start3A_296 = tpu.memref_slice %arg35[%dma_start3A_294, %add3A_289, %dma_start3A_295] : memref<2x256x500xf32, #tpu.memory_space<vmem>> -> memref<1x1x500xf32, #tpu.memory_space<vmem>>
        %dma_start3A_297 = tpu.memref_squeeze %dma_start3A_296 : memref<1x1x500xf32, #tpu.memory_space<vmem>> -> memref<1x500xf32, #tpu.memory_space<vmem>>
        %dma_start3A_298 = arith.constant 0 : i32
        %dma_start3A_299 = tpu.memref_slice %arg7[%get3A_291, %dma_start3A_298] : memref<100000x500xf32, #tpu.memory_space<any>> -> memref<1x500xf32, #tpu.memory_space<any>>
        tpu.enqueue_dma source(%dma_start3A_299 : memref<1x500xf32, #tpu.memory_space<any>>) target(%dma_start3A_297 : memref<1x500xf32, #tpu.memory_space<vmem>>) target_semaphore(%arg38 : memref<!tpu.dma_semaphore, #tpu.memory_space<semaphore_mem>>)
        %dma_start3A_300 = arith.constant 0 : i32
        %dma_start3A_301 = arith.constant 0 : i32
        %dma_start3A_302 = tpu.memref_slice %arg37[%dma_start3A_300, %add3A_289, %dma_start3A_301] : memref<2x256x500xf32, #tpu.memory_space<vmem>> -> memref<1x1x500xf32, #tpu.memory_space<vmem>>
        %dma_start3A_303 = tpu.memref_squeeze %dma_start3A_302 : memref<1x1x500xf32, #tpu.memory_space<vmem>> -> memref<1x500xf32, #tpu.memory_space<vmem>>
        %dma_start3A_304 = arith.constant 0 : i32
        %dma_start3A_305 = tpu.memref_slice %arg8[%get3A_291, %dma_start3A_304] : memref<100000x500xf32, #tpu.memory_space<any>> -> memref<1x500xf32, #tpu.memory_space<any>>
        tpu.enqueue_dma source(%dma_start3A_305 : memref<1x500xf32, #tpu.memory_space<any>>) target(%dma_start3A_303 : memref<1x500xf32, #tpu.memory_space<vmem>>) target_semaphore(%arg38 : memref<!tpu.dma_semaphore, #tpu.memory_space<semaphore_mem>>)
        %dma_start3A_306 = arith.constant 0 : i32
        %dma_start3A_307 = arith.constant 0 : i32
        %dma_start3A_308 = tpu.memref_slice %arg36[%dma_start3A_306, %add3A_289, %dma_start3A_307] : memref<2x256x500xf32, #tpu.memory_space<vmem>> -> memref<1x1x500xf32, #tpu.memory_space<vmem>>
        %dma_start3A_309 = tpu.memref_squeeze %dma_start3A_308 : memref<1x1x500xf32, #tpu.memory_space<vmem>> -> memref<1x500xf32, #tpu.memory_space<vmem>>
        %dma_start3A_310 = arith.constant 0 : i32
        %dma_start3A_311 = tpu.memref_slice %arg7[%get3A_293, %dma_start3A_310] : memref<100000x500xf32, #tpu.memory_space<any>> -> memref<1x500xf32, #tpu.memory_space<any>>
        tpu.enqueue_dma source(%dma_start3A_311 : memref<1x500xf32, #tpu.memory_space<any>>) target(%dma_start3A_309 : memref<1x500xf32, #tpu.memory_space<vmem>>) target_semaphore(%arg38 : memref<!tpu.dma_semaphore, #tpu.memory_space<semaphore_mem>>)
        %add3A_312 = arith.constant 2 : i32
        %add3A_313 = arith.addi %add3A_256, %add3A_312 : i32
        %mul3A_314 = arith.constant 8 : i32
        %mul3A_315 = arith.muli %scan3A_251, %mul3A_314 : i32
        %add3A_316 = arith.constant 2 : i32
        %add3A_317 = arith.addi %mul3A_315, %add3A_316 : i32
        %get3A_318 = arith.index_cast %add3A_313 : i32 to index
        %get3A_319 = memref.load %arg1[%get3A_318] : memref<1024xi32, #tpu.memory_space<smem>>
        %get3A_320 = arith.index_cast %add3A_313 : i32 to index
        %get3A_321 = memref.load %arg2[%get3A_320] : memref<1024xi32, #tpu.memory_space<smem>>
        %dma_start3A_322 = arith.constant 0 : i32
        %dma_start3A_323 = arith.constant 0 : i32
        %dma_start3A_324 = tpu.memref_slice %arg35[%dma_start3A_322, %add3A_317, %dma_start3A_323] : memref<2x256x500xf32, #tpu.memory_space<vmem>> -> memref<1x1x500xf32, #tpu.memory_space<vmem>>
        %dma_start3A_325 = tpu.memref_squeeze %dma_start3A_324 : memref<1x1x500xf32, #tpu.memory_space<vmem>> -> memref<1x500xf32, #tpu.memory_space<vmem>>
        %dma_start3A_326 = arith.constant 0 : i32
        %dma_start3A_327 = tpu.memref_slice %arg7[%get3A_319, %dma_start3A_326] : memref<100000x500xf32, #tpu.memory_space<any>> -> memref<1x500xf32, #tpu.memory_space<any>>
        tpu.enqueue_dma source(%dma_start3A_327 : memref<1x500xf32, #tpu.memory_space<any>>) target(%dma_start3A_325 : memref<1x500xf32, #tpu.memory_space<vmem>>) target_semaphore(%arg38 : memref<!tpu.dma_semaphore, #tpu.memory_space<semaphore_mem>>)
        %dma_start3A_328 = arith.constant 0 : i32
        %dma_start3A_329 = arith.constant 0 : i32
        %dma_start3A_330 = tpu.memref_slice %arg37[%dma_start3A_328, %add3A_317, %dma_start3A_329] : memref<2x256x500xf32, #tpu.memory_space<vmem>> -> memref<1x1x500xf32, #tpu.memory_space<vmem>>
        %dma_start3A_331 = tpu.memref_squeeze %dma_start3A_330 : memref<1x1x500xf32, #tpu.memory_space<vmem>> -> memref<1x500xf32, #tpu.memory_space<vmem>>
        %dma_start3A_332 = arith.constant 0 : i32
        %dma_start3A_333 = tpu.memref_slice %arg8[%get3A_319, %dma_start3A_332] : memref<100000x500xf32, #tpu.memory_space<any>> -> memref<1x500xf32, #tpu.memory_space<any>>
        tpu.enqueue_dma source(%dma_start3A_333 : memref<1x500xf32, #tpu.memory_space<any>>) target(%dma_start3A_331 : memref<1x500xf32, #tpu.memory_space<vmem>>) target_semaphore(%arg38 : memref<!tpu.dma_semaphore, #tpu.memory_space<semaphore_mem>>)
        %dma_start3A_334 = arith.constant 0 : i32
        %dma_start3A_335 = arith.constant 0 : i32
        %dma_start3A_336 = tpu.memref_slice %arg36[%dma_start3A_334, %add3A_317, %dma_start3A_335] : memref<2x256x500xf32, #tpu.memory_space<vmem>> -> memref<1x1x500xf32, #tpu.memory_space<vmem>>
        %dma_start3A_337 = tpu.memref_squeeze %dma_start3A_336 : memref<1x1x500xf32, #tpu.memory_space<vmem>> -> memref<1x500xf32, #tpu.memory_space<vmem>>
        %dma_start3A_338 = arith.constant 0 : i32
        %dma_start3A_339 = tpu.memref_slice %arg7[%get3A_321, %dma_start3A_338] : memref<100000x500xf32, #tpu.memory_space<any>> -> memref<1x500xf32, #tpu.memory_space<any>>
        tpu.enqueue_dma source(%dma_start3A_339 : memref<1x500xf32, #tpu.memory_space<any>>) target(%dma_start3A_337 : memref<1x500xf32, #tpu.memory_space<vmem>>) target_semaphore(%arg38 : memref<!tpu.dma_semaphore, #tpu.memory_space<semaphore_mem>>)
        %add3A_340 = arith.constant 3 : i32
        %add3A_341 = arith.addi %add3A_256, %add3A_340 : i32
        %mul3A_342 = arith.constant 8 : i32
        %mul3A_343 = arith.muli %scan3A_251, %mul3A_342 : i32
        %add3A_344 = arith.constant 3 : i32
        %add3A_345 = arith.addi %mul3A_343, %add3A_344 : i32
        %get3A_346 = arith.index_cast %add3A_341 : i32 to index
        %get3A_347 = memref.load %arg1[%get3A_346] : memref<1024xi32, #tpu.memory_space<smem>>
        %get3A_348 = arith.index_cast %add3A_341 : i32 to index
        %get3A_349 = memref.load %arg2[%get3A_348] : memref<1024xi32, #tpu.memory_space<smem>>
        %dma_start3A_350 = arith.constant 0 : i32
        %dma_start3A_351 = arith.constant 0 : i32
        %dma_start3A_352 = tpu.memref_slice %arg35[%dma_start3A_350, %add3A_345, %dma_start3A_351] : memref<2x256x500xf32, #tpu.memory_space<vmem>> -> memref<1x1x500xf32, #tpu.memory_space<vmem>>
        %dma_start3A_353 = tpu.memref_squeeze %dma_start3A_352 : memref<1x1x500xf32, #tpu.memory_space<vmem>> -> memref<1x500xf32, #tpu.memory_space<vmem>>
        %dma_start3A_354 = arith.constant 0 : i32
        %dma_start3A_355 = tpu.memref_slice %arg7[%get3A_347, %dma_start3A_354] : memref<100000x500xf32, #tpu.memory_space<any>> -> memref<1x500xf32, #tpu.memory_space<any>>
        tpu.enqueue_dma source(%dma_start3A_355 : memref<1x500xf32, #tpu.memory_space<any>>) target(%dma_start3A_353 : memref<1x500xf32, #tpu.memory_space<vmem>>) target_semaphore(%arg38 : memref<!tpu.dma_semaphore, #tpu.memory_space<semaphore_mem>>)
        %dma_start3A_356 = arith.constant 0 : i32
        %dma_start3A_357 = arith.constant 0 : i32
        %dma_start3A_358 = tpu.memref_slice %arg37[%dma_start3A_356, %add3A_345, %dma_start3A_357] : memref<2x256x500xf32, #tpu.memory_space<vmem>> -> memref<1x1x500xf32, #tpu.memory_space<vmem>>
        %dma_start3A_359 = tpu.memref_squeeze %dma_start3A_358 : memref<1x1x500xf32, #tpu.memory_space<vmem>> -> memref<1x500xf32, #tpu.memory_space<vmem>>
        %dma_start3A_360 = arith.constant 0 : i32
        %dma_start3A_361 = tpu.memref_slice %arg8[%get3A_347, %dma_start3A_360] : memref<100000x500xf32, #tpu.memory_space<any>> -> memref<1x500xf32, #tpu.memory_space<any>>
        tpu.enqueue_dma source(%dma_start3A_361 : memref<1x500xf32, #tpu.memory_space<any>>) target(%dma_start3A_359 : memref<1x500xf32, #tpu.memory_space<vmem>>) target_semaphore(%arg38 : memref<!tpu.dma_semaphore, #tpu.memory_space<semaphore_mem>>)
        %dma_start3A_362 = arith.constant 0 : i32
        %dma_start3A_363 = arith.constant 0 : i32
        %dma_start3A_364 = tpu.memref_slice %arg36[%dma_start3A_362, %add3A_345, %dma_start3A_363] : memref<2x256x500xf32, #tpu.memory_space<vmem>> -> memref<1x1x500xf32, #tpu.memory_space<vmem>>
        %dma_start3A_365 = tpu.memref_squeeze %dma_start3A_364 : memref<1x1x500xf32, #tpu.memory_space<vmem>> -> memref<1x500xf32, #tpu.memory_space<vmem>>
        %dma_start3A_366 = arith.constant 0 : i32
        %dma_start3A_367 = tpu.memref_slice %arg7[%get3A_349, %dma_start3A_366] : memref<100000x500xf32, #tpu.memory_space<any>> -> memref<1x500xf32, #tpu.memory_space<any>>
        tpu.enqueue_dma source(%dma_start3A_367 : memref<1x500xf32, #tpu.memory_space<any>>) target(%dma_start3A_365 : memref<1x500xf32, #tpu.memory_space<vmem>>) target_semaphore(%arg38 : memref<!tpu.dma_semaphore, #tpu.memory_space<semaphore_mem>>)
        %add3A_368 = arith.constant 4 : i32
        %add3A_369 = arith.addi %add3A_256, %add3A_368 : i32
        %mul3A_370 = arith.constant 8 : i32
        %mul3A_371 = arith.muli %scan3A_251, %mul3A_370 : i32
        %add3A_372 = arith.constant 4 : i32
        %add3A_373 = arith.addi %mul3A_371, %add3A_372 : i32
        %get3A_374 = arith.index_cast %add3A_369 : i32 to index
        %get3A_375 = memref.load %arg1[%get3A_374] : memref<1024xi32, #tpu.memory_space<smem>>
        %get3A_376 = arith.index_cast %add3A_369 : i32 to index
        %get3A_377 = memref.load %arg2[%get3A_376] : memref<1024xi32, #tpu.memory_space<smem>>
        %dma_start3A_378 = arith.constant 0 : i32
        %dma_start3A_379 = arith.constant 0 : i32
        %dma_start3A_380 = tpu.memref_slice %arg35[%dma_start3A_378, %add3A_373, %dma_start3A_379] : memref<2x256x500xf32, #tpu.memory_space<vmem>> -> memref<1x1x500xf32, #tpu.memory_space<vmem>>
        %dma_start3A_381 = tpu.memref_squeeze %dma_start3A_380 : memref<1x1x500xf32, #tpu.memory_space<vmem>> -> memref<1x500xf32, #tpu.memory_space<vmem>>
        %dma_start3A_382 = arith.constant 0 : i32
        %dma_start3A_383 = tpu.memref_slice %arg7[%get3A_375, %dma_start3A_382] : memref<100000x500xf32, #tpu.memory_space<any>> -> memref<1x500xf32, #tpu.memory_space<any>>
        tpu.enqueue_dma source(%dma_start3A_383 : memref<1x500xf32, #tpu.memory_space<any>>) target(%dma_start3A_381 : memref<1x500xf32, #tpu.memory_space<vmem>>) target_semaphore(%arg38 : memref<!tpu.dma_semaphore, #tpu.memory_space<semaphore_mem>>)
        %dma_start3A_384 = arith.constant 0 : i32
        %dma_start3A_385 = arith.constant 0 : i32
        %dma_start3A_386 = tpu.memref_slice %arg37[%dma_start3A_384, %add3A_373, %dma_start3A_385] : memref<2x256x500xf32, #tpu.memory_space<vmem>> -> memref<1x1x500xf32, #tpu.memory_space<vmem>>
        %dma_start3A_387 = tpu.memref_squeeze %dma_start3A_386 : memref<1x1x500xf32, #tpu.memory_space<vmem>> -> memref<1x500xf32, #tpu.memory_space<vmem>>
        %dma_start3A_388 = arith.constant 0 : i32
        %dma_start3A_389 = tpu.memref_slice %arg8[%get3A_375, %dma_start3A_388] : memref<100000x500xf32, #tpu.memory_space<any>> -> memref<1x500xf32, #tpu.memory_space<any>>
        tpu.enqueue_dma source(%dma_start3A_389 : memref<1x500xf32, #tpu.memory_space<any>>) target(%dma_start3A_387 : memref<1x500xf32, #tpu.memory_space<vmem>>) target_semaphore(%arg38 : memref<!tpu.dma_semaphore, #tpu.memory_space<semaphore_mem>>)
        %dma_start3A_390 = arith.constant 0 : i32
        %dma_start3A_391 = arith.constant 0 : i32
        %dma_start3A_392 = tpu.memref_slice %arg36[%dma_start3A_390, %add3A_373, %dma_start3A_391] : memref<2x256x500xf32, #tpu.memory_space<vmem>> -> memref<1x1x500xf32, #tpu.memory_space<vmem>>
        %dma_start3A_393 = tpu.memref_squeeze %dma_start3A_392 : memref<1x1x500xf32, #tpu.memory_space<vmem>> -> memref<1x500xf32, #tpu.memory_space<vmem>>
        %dma_start3A_394 = arith.constant 0 : i32
        %dma_start3A_395 = tpu.memref_slice %arg7[%get3A_377, %dma_start3A_394] : memref<100000x500xf32, #tpu.memory_space<any>> -> memref<1x500xf32, #tpu.memory_space<any>>
        tpu.enqueue_dma source(%dma_start3A_395 : memref<1x500xf32, #tpu.memory_space<any>>) target(%dma_start3A_393 : memref<1x500xf32, #tpu.memory_space<vmem>>) target_semaphore(%arg38 : memref<!tpu.dma_semaphore, #tpu.memory_space<semaphore_mem>>)
        %add3A_396 = arith.constant 5 : i32
        %add3A_397 = arith.addi %add3A_256, %add3A_396 : i32
        %mul3A_398 = arith.constant 8 : i32
        %mul3A_399 = arith.muli %scan3A_251, %mul3A_398 : i32
        %add3A_400 = arith.constant 5 : i32
        %add3A_401 = arith.addi %mul3A_399, %add3A_400 : i32
        %get3A_402 = arith.index_cast %add3A_397 : i32 to index
        %get3A_403 = memref.load %arg1[%get3A_402] : memref<1024xi32, #tpu.memory_space<smem>>
        %get3A_404 = arith.index_cast %add3A_397 : i32 to index
        %get3A_405 = memref.load %arg2[%get3A_404] : memref<1024xi32, #tpu.memory_space<smem>>
        %dma_start3A_406 = arith.constant 0 : i32
        %dma_start3A_407 = arith.constant 0 : i32
        %dma_start3A_408 = tpu.memref_slice %arg35[%dma_start3A_406, %add3A_401, %dma_start3A_407] : memref<2x256x500xf32, #tpu.memory_space<vmem>> -> memref<1x1x500xf32, #tpu.memory_space<vmem>>
        %dma_start3A_409 = tpu.memref_squeeze %dma_start3A_408 : memref<1x1x500xf32, #tpu.memory_space<vmem>> -> memref<1x500xf32, #tpu.memory_space<vmem>>
        %dma_start3A_410 = arith.constant 0 : i32
        %dma_start3A_411 = tpu.memref_slice %arg7[%get3A_403, %dma_start3A_410] : memref<100000x500xf32, #tpu.memory_space<any>> -> memref<1x500xf32, #tpu.memory_space<any>>
        tpu.enqueue_dma source(%dma_start3A_411 : memref<1x500xf32, #tpu.memory_space<any>>) target(%dma_start3A_409 : memref<1x500xf32, #tpu.memory_space<vmem>>) target_semaphore(%arg38 : memref<!tpu.dma_semaphore, #tpu.memory_space<semaphore_mem>>)
        %dma_start3A_412 = arith.constant 0 : i32
        %dma_start3A_413 = arith.constant 0 : i32
        %dma_start3A_414 = tpu.memref_slice %arg37[%dma_start3A_412, %add3A_401, %dma_start3A_413] : memref<2x256x500xf32, #tpu.memory_space<vmem>> -> memref<1x1x500xf32, #tpu.memory_space<vmem>>
        %dma_start3A_415 = tpu.memref_squeeze %dma_start3A_414 : memref<1x1x500xf32, #tpu.memory_space<vmem>> -> memref<1x500xf32, #tpu.memory_space<vmem>>
        %dma_start3A_416 = arith.constant 0 : i32
        %dma_start3A_417 = tpu.memref_slice %arg8[%get3A_403, %dma_start3A_416] : memref<100000x500xf32, #tpu.memory_space<any>> -> memref<1x500xf32, #tpu.memory_space<any>>
        tpu.enqueue_dma source(%dma_start3A_417 : memref<1x500xf32, #tpu.memory_space<any>>) target(%dma_start3A_415 : memref<1x500xf32, #tpu.memory_space<vmem>>) target_semaphore(%arg38 : memref<!tpu.dma_semaphore, #tpu.memory_space<semaphore_mem>>)
        %dma_start3A_418 = arith.constant 0 : i32
        %dma_start3A_419 = arith.constant 0 : i32
        %dma_start3A_420 = tpu.memref_slice %arg36[%dma_start3A_418, %add3A_401, %dma_start3A_419] : memref<2x256x500xf32, #tpu.memory_space<vmem>> -> memref<1x1x500xf32, #tpu.memory_space<vmem>>
        %dma_start3A_421 = tpu.memref_squeeze %dma_start3A_420 : memref<1x1x500xf32, #tpu.memory_space<vmem>> -> memref<1x500xf32, #tpu.memory_space<vmem>>
        %dma_start3A_422 = arith.constant 0 : i32
        %dma_start3A_423 = tpu.memref_slice %arg7[%get3A_405, %dma_start3A_422] : memref<100000x500xf32, #tpu.memory_space<any>> -> memref<1x500xf32, #tpu.memory_space<any>>
        tpu.enqueue_dma source(%dma_start3A_423 : memref<1x500xf32, #tpu.memory_space<any>>) target(%dma_start3A_421 : memref<1x500xf32, #tpu.memory_space<vmem>>) target_semaphore(%arg38 : memref<!tpu.dma_semaphore, #tpu.memory_space<semaphore_mem>>)
        %add3A_424 = arith.constant 6 : i32
        %add3A_425 = arith.addi %add3A_256, %add3A_424 : i32
        %mul3A_426 = arith.constant 8 : i32
        %mul3A_427 = arith.muli %scan3A_251, %mul3A_426 : i32
        %add3A_428 = arith.constant 6 : i32
        %add3A_429 = arith.addi %mul3A_427, %add3A_428 : i32
        %get3A_430 = arith.index_cast %add3A_425 : i32 to index
        %get3A_431 = memref.load %arg1[%get3A_430] : memref<1024xi32, #tpu.memory_space<smem>>
        %get3A_432 = arith.index_cast %add3A_425 : i32 to index
        %get3A_433 = memref.load %arg2[%get3A_432] : memref<1024xi32, #tpu.memory_space<smem>>
        %dma_start3A_434 = arith.constant 0 : i32
        %dma_start3A_435 = arith.constant 0 : i32
        %dma_start3A_436 = tpu.memref_slice %arg35[%dma_start3A_434, %add3A_429, %dma_start3A_435] : memref<2x256x500xf32, #tpu.memory_space<vmem>> -> memref<1x1x500xf32, #tpu.memory_space<vmem>>
        %dma_start3A_437 = tpu.memref_squeeze %dma_start3A_436 : memref<1x1x500xf32, #tpu.memory_space<vmem>> -> memref<1x500xf32, #tpu.memory_space<vmem>>
        %dma_start3A_438 = arith.constant 0 : i32
        %dma_start3A_439 = tpu.memref_slice %arg7[%get3A_431, %dma_start3A_438] : memref<100000x500xf32, #tpu.memory_space<any>> -> memref<1x500xf32, #tpu.memory_space<any>>
        tpu.enqueue_dma source(%dma_start3A_439 : memref<1x500xf32, #tpu.memory_space<any>>) target(%dma_start3A_437 : memref<1x500xf32, #tpu.memory_space<vmem>>) target_semaphore(%arg38 : memref<!tpu.dma_semaphore, #tpu.memory_space<semaphore_mem>>)
        %dma_start3A_440 = arith.constant 0 : i32
        %dma_start3A_441 = arith.constant 0 : i32
        %dma_start3A_442 = tpu.memref_slice %arg37[%dma_start3A_440, %add3A_429, %dma_start3A_441] : memref<2x256x500xf32, #tpu.memory_space<vmem>> -> memref<1x1x500xf32, #tpu.memory_space<vmem>>
        %dma_start3A_443 = tpu.memref_squeeze %dma_start3A_442 : memref<1x1x500xf32, #tpu.memory_space<vmem>> -> memref<1x500xf32, #tpu.memory_space<vmem>>
        %dma_start3A_444 = arith.constant 0 : i32
        %dma_start3A_445 = tpu.memref_slice %arg8[%get3A_431, %dma_start3A_444] : memref<100000x500xf32, #tpu.memory_space<any>> -> memref<1x500xf32, #tpu.memory_space<any>>
        tpu.enqueue_dma source(%dma_start3A_445 : memref<1x500xf32, #tpu.memory_space<any>>) target(%dma_start3A_443 : memref<1x500xf32, #tpu.memory_space<vmem>>) target_semaphore(%arg38 : memref<!tpu.dma_semaphore, #tpu.memory_space<semaphore_mem>>)
        %dma_start3A_446 = arith.constant 0 : i32
        %dma_start3A_447 = arith.constant 0 : i32
        %dma_start3A_448 = tpu.memref_slice %arg36[%dma_start3A_446, %add3A_429, %dma_start3A_447] : memref<2x256x500xf32, #tpu.memory_space<vmem>> -> memref<1x1x500xf32, #tpu.memory_space<vmem>>
        %dma_start3A_449 = tpu.memref_squeeze %dma_start3A_448 : memref<1x1x500xf32, #tpu.memory_space<vmem>> -> memref<1x500xf32, #tpu.memory_space<vmem>>
        %dma_start3A_450 = arith.constant 0 : i32
        %dma_start3A_451 = tpu.memref_slice %arg7[%get3A_433, %dma_start3A_450] : memref<100000x500xf32, #tpu.memory_space<any>> -> memref<1x500xf32, #tpu.memory_space<any>>
        tpu.enqueue_dma source(%dma_start3A_451 : memref<1x500xf32, #tpu.memory_space<any>>) target(%dma_start3A_449 : memref<1x500xf32, #tpu.memory_space<vmem>>) target_semaphore(%arg38 : memref<!tpu.dma_semaphore, #tpu.memory_space<semaphore_mem>>)
        %add3A_452 = arith.constant 7 : i32
        %add3A_453 = arith.addi %add3A_256, %add3A_452 : i32
        %mul3A_454 = arith.constant 8 : i32
        %mul3A_455 = arith.muli %scan3A_251, %mul3A_454 : i32
        %add3A_456 = arith.constant 7 : i32
        %add3A_457 = arith.addi %mul3A_455, %add3A_456 : i32
        %get3A_458 = arith.index_cast %add3A_453 : i32 to index
        %get3A_459 = memref.load %arg1[%get3A_458] : memref<1024xi32, #tpu.memory_space<smem>>
        %get3A_460 = arith.index_cast %add3A_453 : i32 to index
        %get3A_461 = memref.load %arg2[%get3A_460] : memref<1024xi32, #tpu.memory_space<smem>>
        %dma_start3A_462 = arith.constant 0 : i32
        %dma_start3A_463 = arith.constant 0 : i32
        %dma_start3A_464 = tpu.memref_slice %arg35[%dma_start3A_462, %add3A_457, %dma_start3A_463] : memref<2x256x500xf32, #tpu.memory_space<vmem>> -> memref<1x1x500xf32, #tpu.memory_space<vmem>>
        %dma_start3A_465 = tpu.memref_squeeze %dma_start3A_464 : memref<1x1x500xf32, #tpu.memory_space<vmem>> -> memref<1x500xf32, #tpu.memory_space<vmem>>
        %dma_start3A_466 = arith.constant 0 : i32
        %dma_start3A_467 = tpu.memref_slice %arg7[%get3A_459, %dma_start3A_466] : memref<100000x500xf32, #tpu.memory_space<any>> -> memref<1x500xf32, #tpu.memory_space<any>>
        tpu.enqueue_dma source(%dma_start3A_467 : memref<1x500xf32, #tpu.memory_space<any>>) target(%dma_start3A_465 : memref<1x500xf32, #tpu.memory_space<vmem>>) target_semaphore(%arg38 : memref<!tpu.dma_semaphore, #tpu.memory_space<semaphore_mem>>)
        %dma_start3A_468 = arith.constant 0 : i32
        %dma_start3A_469 = arith.constant 0 : i32
        %dma_start3A_470 = tpu.memref_slice %arg37[%dma_start3A_468, %add3A_457, %dma_start3A_469] : memref<2x256x500xf32, #tpu.memory_space<vmem>> -> memref<1x1x500xf32, #tpu.memory_space<vmem>>
        %dma_start3A_471 = tpu.memref_squeeze %dma_start3A_470 : memref<1x1x500xf32, #tpu.memory_space<vmem>> -> memref<1x500xf32, #tpu.memory_space<vmem>>
        %dma_start3A_472 = arith.constant 0 : i32
        %dma_start3A_473 = tpu.memref_slice %arg8[%get3A_459, %dma_start3A_472] : memref<100000x500xf32, #tpu.memory_space<any>> -> memref<1x500xf32, #tpu.memory_space<any>>
        tpu.enqueue_dma source(%dma_start3A_473 : memref<1x500xf32, #tpu.memory_space<any>>) target(%dma_start3A_471 : memref<1x500xf32, #tpu.memory_space<vmem>>) target_semaphore(%arg38 : memref<!tpu.dma_semaphore, #tpu.memory_space<semaphore_mem>>)
        %dma_start3A_474 = arith.constant 0 : i32
        %dma_start3A_475 = arith.constant 0 : i32
        %dma_start3A_476 = tpu.memref_slice %arg36[%dma_start3A_474, %add3A_457, %dma_start3A_475] : memref<2x256x500xf32, #tpu.memory_space<vmem>> -> memref<1x1x500xf32, #tpu.memory_space<vmem>>
        %dma_start3A_477 = tpu.memref_squeeze %dma_start3A_476 : memref<1x1x500xf32, #tpu.memory_space<vmem>> -> memref<1x500xf32, #tpu.memory_space<vmem>>
        %dma_start3A_478 = arith.constant 0 : i32
        %dma_start3A_479 = tpu.memref_slice %arg7[%get3A_461, %dma_start3A_478] : memref<100000x500xf32, #tpu.memory_space<any>> -> memref<1x500xf32, #tpu.memory_space<any>>
        tpu.enqueue_dma source(%dma_start3A_479 : memref<1x500xf32, #tpu.memory_space<any>>) target(%dma_start3A_477 : memref<1x500xf32, #tpu.memory_space<vmem>>) target_semaphore(%arg38 : memref<!tpu.dma_semaphore, #tpu.memory_space<semaphore_mem>>)
      }
      %scan3A_244 = arith.constant 32 : i32
      %scan3A_245 = arith.constant 1 : i32
      %scan3A_246 = arith.constant 0 : i32
      %scan3A_247 = arith.constant 32 : i32
      %scan3A_248 = arith.addi %scan3A_246, %scan3A_247 : i32
      %scan3A_249 = arith.constant 1 : i32
      scf.for %scan3A_251 = %scan3A_246 to %scan3A_248 step %scan3A_249  : i32 {
        %mul3A_252 = arith.constant 256 : i32
        %mul3A_253 = arith.muli %scan3A_245, %mul3A_252 : i32
        %mul3A_254 = arith.constant 8 : i32
        %mul3A_255 = arith.muli %scan3A_251, %mul3A_254 : i32
        %add3A_256 = arith.addi %mul3A_253, %mul3A_255 : i32
        %add3A_257 = arith.constant 0 : i32
        %add3A_258 = arith.addi %add3A_256, %add3A_257 : i32
        %mul3A_259 = arith.constant 8 : i32
        %mul3A_260 = arith.muli %scan3A_251, %mul3A_259 : i32
        %add3A_261 = arith.constant 0 : i32
        %add3A_262 = arith.addi %mul3A_260, %add3A_261 : i32
        %get3A_263 = arith.index_cast %add3A_258 : i32 to index
        %get3A_264 = memref.load %arg1[%get3A_263] : memref<1024xi32, #tpu.memory_space<smem>>
        %get3A_265 = arith.index_cast %add3A_258 : i32 to index
        %get3A_266 = memref.load %arg2[%get3A_265] : memref<1024xi32, #tpu.memory_space<smem>>
        %dma_start3A = arith.constant 1 : i32
        %dma_start3A_267 = arith.constant 0 : i32
        %dma_start3A_268 = tpu.memref_slice %arg35[%dma_start3A, %add3A_262, %dma_start3A_267] : memref<2x256x500xf32, #tpu.memory_space<vmem>> -> memref<1x1x500xf32, #tpu.memory_space<vmem>>
        %dma_start3A_269 = tpu.memref_squeeze %dma_start3A_268 : memref<1x1x500xf32, #tpu.memory_space<vmem>> -> memref<1x500xf32, #tpu.memory_space<vmem>>
        %dma_start3A_270 = arith.constant 0 : i32
        %dma_start3A_271 = tpu.memref_slice %arg7[%get3A_264, %dma_start3A_270] : memref<100000x500xf32, #tpu.memory_space<any>> -> memref<1x500xf32, #tpu.memory_space<any>>
        tpu.enqueue_dma source(%dma_start3A_271 : memref<1x500xf32, #tpu.memory_space<any>>) target(%dma_start3A_269 : memref<1x500xf32, #tpu.memory_space<vmem>>) target_semaphore(%arg39 : memref<!tpu.dma_semaphore, #tpu.memory_space<semaphore_mem>>)
        %dma_start3A_272 = arith.constant 1 : i32
        %dma_start3A_273 = arith.constant 0 : i32
        %dma_start3A_274 = tpu.memref_slice %arg37[%dma_start3A_272, %add3A_262, %dma_start3A_273] : memref<2x256x500xf32, #tpu.memory_space<vmem>> -> memref<1x1x500xf32, #tpu.memory_space<vmem>>
        %dma_start3A_275 = tpu.memref_squeeze %dma_start3A_274 : memref<1x1x500xf32, #tpu.memory_space<vmem>> -> memref<1x500xf32, #tpu.memory_space<vmem>>
        %dma_start3A_276 = arith.constant 0 : i32
        %dma_start3A_277 = tpu.memref_slice %arg8[%get3A_264, %dma_start3A_276] : memref<100000x500xf32, #tpu.memory_space<any>> -> memref<1x500xf32, #tpu.memory_space<any>>
        tpu.enqueue_dma source(%dma_start3A_277 : memref<1x500xf32, #tpu.memory_space<any>>) target(%dma_start3A_275 : memref<1x500xf32, #tpu.memory_space<vmem>>) target_semaphore(%arg39 : memref<!tpu.dma_semaphore, #tpu.memory_space<semaphore_mem>>)
        %dma_start3A_278 = arith.constant 1 : i32
        %dma_start3A_279 = arith.constant 0 : i32
        %dma_start3A_280 = tpu.memref_slice %arg36[%dma_start3A_278, %add3A_262, %dma_start3A_279] : memref<2x256x500xf32, #tpu.memory_space<vmem>> -> memref<1x1x500xf32, #tpu.memory_space<vmem>>
        %dma_start3A_281 = tpu.memref_squeeze %dma_start3A_280 : memref<1x1x500xf32, #tpu.memory_space<vmem>> -> memref<1x500xf32, #tpu.memory_space<vmem>>
        %dma_start3A_282 = arith.constant 0 : i32
        %dma_start3A_283 = tpu.memref_slice %arg7[%get3A_266, %dma_start3A_282] : memref<100000x500xf32, #tpu.memory_space<any>> -> memref<1x500xf32, #tpu.memory_space<any>>
        tpu.enqueue_dma source(%dma_start3A_283 : memref<1x500xf32, #tpu.memory_space<any>>) target(%dma_start3A_281 : memref<1x500xf32, #tpu.memory_space<vmem>>) target_semaphore(%arg39 : memref<!tpu.dma_semaphore, #tpu.memory_space<semaphore_mem>>)
        %add3A_284 = arith.constant 1 : i32
        %add3A_285 = arith.addi %add3A_256, %add3A_284 : i32
        %mul3A_286 = arith.constant 8 : i32
        %mul3A_287 = arith.muli %scan3A_251, %mul3A_286 : i32
        %add3A_288 = arith.constant 1 : i32
        %add3A_289 = arith.addi %mul3A_287, %add3A_288 : i32
        %get3A_290 = arith.index_cast %add3A_285 : i32 to index
        %get3A_291 = memref.load %arg1[%get3A_290] : memref<1024xi32, #tpu.memory_space<smem>>
        %get3A_292 = arith.index_cast %add3A_285 : i32 to index
        %get3A_293 = memref.load %arg2[%get3A_292] : memref<1024xi32, #tpu.memory_space<smem>>
        %dma_start3A_294 = arith.constant 1 : i32
        %dma_start3A_295 = arith.constant 0 : i32
        %dma_start3A_296 = tpu.memref_slice %arg35[%dma_start3A_294, %add3A_289, %dma_start3A_295] : memref<2x256x500xf32, #tpu.memory_space<vmem>> -> memref<1x1x500xf32, #tpu.memory_space<vmem>>
        %dma_start3A_297 = tpu.memref_squeeze %dma_start3A_296 : memref<1x1x500xf32, #tpu.memory_space<vmem>> -> memref<1x500xf32, #tpu.memory_space<vmem>>
        %dma_start3A_298 = arith.constant 0 : i32
        %dma_start3A_299 = tpu.memref_slice %arg7[%get3A_291, %dma_start3A_298] : memref<100000x500xf32, #tpu.memory_space<any>> -> memref<1x500xf32, #tpu.memory_space<any>>
        tpu.enqueue_dma source(%dma_start3A_299 : memref<1x500xf32, #tpu.memory_space<any>>) target(%dma_start3A_297 : memref<1x500xf32, #tpu.memory_space<vmem>>) target_semaphore(%arg39 : memref<!tpu.dma_semaphore, #tpu.memory_space<semaphore_mem>>)
        %dma_start3A_300 = arith.constant 1 : i32
        %dma_start3A_301 = arith.constant 0 : i32
        %dma_start3A_302 = tpu.memref_slice %arg37[%dma_start3A_300, %add3A_289, %dma_start3A_301] : memref<2x256x500xf32, #tpu.memory_space<vmem>> -> memref<1x1x500xf32, #tpu.memory_space<vmem>>
        %dma_start3A_303 = tpu.memref_squeeze %dma_start3A_302 : memref<1x1x500xf32, #tpu.memory_space<vmem>> -> memref<1x500xf32, #tpu.memory_space<vmem>>
        %dma_start3A_304 = arith.constant 0 : i32
        %dma_start3A_305 = tpu.memref_slice %arg8[%get3A_291, %dma_start3A_304] : memref<100000x500xf32, #tpu.memory_space<any>> -> memref<1x500xf32, #tpu.memory_space<any>>
        tpu.enqueue_dma source(%dma_start3A_305 : memref<1x500xf32, #tpu.memory_space<any>>) target(%dma_start3A_303 : memref<1x500xf32, #tpu.memory_space<vmem>>) target_semaphore(%arg39 : memref<!tpu.dma_semaphore, #tpu.memory_space<semaphore_mem>>)
        %dma_start3A_306 = arith.constant 1 : i32
        %dma_start3A_307 = arith.constant 0 : i32
        %dma_start3A_308 = tpu.memref_slice %arg36[%dma_start3A_306, %add3A_289, %dma_start3A_307] : memref<2x256x500xf32, #tpu.memory_space<vmem>> -> memref<1x1x500xf32, #tpu.memory_space<vmem>>
        %dma_start3A_309 = tpu.memref_squeeze %dma_start3A_308 : memref<1x1x500xf32, #tpu.memory_space<vmem>> -> memref<1x500xf32, #tpu.memory_space<vmem>>
        %dma_start3A_310 = arith.constant 0 : i32
        %dma_start3A_311 = tpu.memref_slice %arg7[%get3A_293, %dma_start3A_310] : memref<100000x500xf32, #tpu.memory_space<any>> -> memref<1x500xf32, #tpu.memory_space<any>>
        tpu.enqueue_dma source(%dma_start3A_311 : memref<1x500xf32, #tpu.memory_space<any>>) target(%dma_start3A_309 : memref<1x500xf32, #tpu.memory_space<vmem>>) target_semaphore(%arg39 : memref<!tpu.dma_semaphore, #tpu.memory_space<semaphore_mem>>)
        %add3A_312 = arith.constant 2 : i32
        %add3A_313 = arith.addi %add3A_256, %add3A_312 : i32
        %mul3A_314 = arith.constant 8 : i32
        %mul3A_315 = arith.muli %scan3A_251, %mul3A_314 : i32
        %add3A_316 = arith.constant 2 : i32
        %add3A_317 = arith.addi %mul3A_315, %add3A_316 : i32
        %get3A_318 = arith.index_cast %add3A_313 : i32 to index
        %get3A_319 = memref.load %arg1[%get3A_318] : memref<1024xi32, #tpu.memory_space<smem>>
        %get3A_320 = arith.index_cast %add3A_313 : i32 to index
        %get3A_321 = memref.load %arg2[%get3A_320] : memref<1024xi32, #tpu.memory_space<smem>>
        %dma_start3A_322 = arith.constant 1 : i32
        %dma_start3A_323 = arith.constant 0 : i32
        %dma_start3A_324 = tpu.memref_slice %arg35[%dma_start3A_322, %add3A_317, %dma_start3A_323] : memref<2x256x500xf32, #tpu.memory_space<vmem>> -> memref<1x1x500xf32, #tpu.memory_space<vmem>>
        %dma_start3A_325 = tpu.memref_squeeze %dma_start3A_324 : memref<1x1x500xf32, #tpu.memory_space<vmem>> -> memref<1x500xf32, #tpu.memory_space<vmem>>
        %dma_start3A_326 = arith.constant 0 : i32
        %dma_start3A_327 = tpu.memref_slice %arg7[%get3A_319, %dma_start3A_326] : memref<100000x500xf32, #tpu.memory_space<any>> -> memref<1x500xf32, #tpu.memory_space<any>>
        tpu.enqueue_dma source(%dma_start3A_327 : memref<1x500xf32, #tpu.memory_space<any>>) target(%dma_start3A_325 : memref<1x500xf32, #tpu.memory_space<vmem>>) target_semaphore(%arg39 : memref<!tpu.dma_semaphore, #tpu.memory_space<semaphore_mem>>)
        %dma_start3A_328 = arith.constant 1 : i32
        %dma_start3A_329 = arith.constant 0 : i32
        %dma_start3A_330 = tpu.memref_slice %arg37[%dma_start3A_328, %add3A_317, %dma_start3A_329] : memref<2x256x500xf32, #tpu.memory_space<vmem>> -> memref<1x1x500xf32, #tpu.memory_space<vmem>>
        %dma_start3A_331 = tpu.memref_squeeze %dma_start3A_330 : memref<1x1x500xf32, #tpu.memory_space<vmem>> -> memref<1x500xf32, #tpu.memory_space<vmem>>
        %dma_start3A_332 = arith.constant 0 : i32
        %dma_start3A_333 = tpu.memref_slice %arg8[%get3A_319, %dma_start3A_332] : memref<100000x500xf32, #tpu.memory_space<any>> -> memref<1x500xf32, #tpu.memory_space<any>>
        tpu.enqueue_dma source(%dma_start3A_333 : memref<1x500xf32, #tpu.memory_space<any>>) target(%dma_start3A_331 : memref<1x500xf32, #tpu.memory_space<vmem>>) target_semaphore(%arg39 : memref<!tpu.dma_semaphore, #tpu.memory_space<semaphore_mem>>)
        %dma_start3A_334 = arith.constant 1 : i32
        %dma_start3A_335 = arith.constant 0 : i32
        %dma_start3A_336 = tpu.memref_slice %arg36[%dma_start3A_334, %add3A_317, %dma_start3A_335] : memref<2x256x500xf32, #tpu.memory_space<vmem>> -> memref<1x1x500xf32, #tpu.memory_space<vmem>>
        %dma_start3A_337 = tpu.memref_squeeze %dma_start3A_336 : memref<1x1x500xf32, #tpu.memory_space<vmem>> -> memref<1x500xf32, #tpu.memory_space<vmem>>
        %dma_start3A_338 = arith.constant 0 : i32
        %dma_start3A_339 = tpu.memref_slice %arg7[%get3A_321, %dma_start3A_338] : memref<100000x500xf32, #tpu.memory_space<any>> -> memref<1x500xf32, #tpu.memory_space<any>>
        tpu.enqueue_dma source(%dma_start3A_339 : memref<1x500xf32, #tpu.memory_space<any>>) target(%dma_start3A_337 : memref<1x500xf32, #tpu.memory_space<vmem>>) target_semaphore(%arg39 : memref<!tpu.dma_semaphore, #tpu.memory_space<semaphore_mem>>)
        %add3A_340 = arith.constant 3 : i32
        %add3A_341 = arith.addi %add3A_256, %add3A_340 : i32
        %mul3A_342 = arith.constant 8 : i32
        %mul3A_343 = arith.muli %scan3A_251, %mul3A_342 : i32
        %add3A_344 = arith.constant 3 : i32
        %add3A_345 = arith.addi %mul3A_343, %add3A_344 : i32
        %get3A_346 = arith.index_cast %add3A_341 : i32 to index
        %get3A_347 = memref.load %arg1[%get3A_346] : memref<1024xi32, #tpu.memory_space<smem>>
        %get3A_348 = arith.index_cast %add3A_341 : i32 to index
        %get3A_349 = memref.load %arg2[%get3A_348] : memref<1024xi32, #tpu.memory_space<smem>>
        %dma_start3A_350 = arith.constant 1 : i32
        %dma_start3A_351 = arith.constant 0 : i32
        %dma_start3A_352 = tpu.memref_slice %arg35[%dma_start3A_350, %add3A_345, %dma_start3A_351] : memref<2x256x500xf32, #tpu.memory_space<vmem>> -> memref<1x1x500xf32, #tpu.memory_space<vmem>>
        %dma_start3A_353 = tpu.memref_squeeze %dma_start3A_352 : memref<1x1x500xf32, #tpu.memory_space<vmem>> -> memref<1x500xf32, #tpu.memory_space<vmem>>
        %dma_start3A_354 = arith.constant 0 : i32
        %dma_start3A_355 = tpu.memref_slice %arg7[%get3A_347, %dma_start3A_354] : memref<100000x500xf32, #tpu.memory_space<any>> -> memref<1x500xf32, #tpu.memory_space<any>>
        tpu.enqueue_dma source(%dma_start3A_355 : memref<1x500xf32, #tpu.memory_space<any>>) target(%dma_start3A_353 : memref<1x500xf32, #tpu.memory_space<vmem>>) target_semaphore(%arg39 : memref<!tpu.dma_semaphore, #tpu.memory_space<semaphore_mem>>)
        %dma_start3A_356 = arith.constant 1 : i32
        %dma_start3A_357 = arith.constant 0 : i32
        %dma_start3A_358 = tpu.memref_slice %arg37[%dma_start3A_356, %add3A_345, %dma_start3A_357] : memref<2x256x500xf32, #tpu.memory_space<vmem>> -> memref<1x1x500xf32, #tpu.memory_space<vmem>>
        %dma_start3A_359 = tpu.memref_squeeze %dma_start3A_358 : memref<1x1x500xf32, #tpu.memory_space<vmem>> -> memref<1x500xf32, #tpu.memory_space<vmem>>
        %dma_start3A_360 = arith.constant 0 : i32
        %dma_start3A_361 = tpu.memref_slice %arg8[%get3A_347, %dma_start3A_360] : memref<100000x500xf32, #tpu.memory_space<any>> -> memref<1x500xf32, #tpu.memory_space<any>>
        tpu.enqueue_dma source(%dma_start3A_361 : memref<1x500xf32, #tpu.memory_space<any>>) target(%dma_start3A_359 : memref<1x500xf32, #tpu.memory_space<vmem>>) target_semaphore(%arg39 : memref<!tpu.dma_semaphore, #tpu.memory_space<semaphore_mem>>)
        %dma_start3A_362 = arith.constant 1 : i32
        %dma_start3A_363 = arith.constant 0 : i32
        %dma_start3A_364 = tpu.memref_slice %arg36[%dma_start3A_362, %add3A_345, %dma_start3A_363] : memref<2x256x500xf32, #tpu.memory_space<vmem>> -> memref<1x1x500xf32, #tpu.memory_space<vmem>>
        %dma_start3A_365 = tpu.memref_squeeze %dma_start3A_364 : memref<1x1x500xf32, #tpu.memory_space<vmem>> -> memref<1x500xf32, #tpu.memory_space<vmem>>
        %dma_start3A_366 = arith.constant 0 : i32
        %dma_start3A_367 = tpu.memref_slice %arg7[%get3A_349, %dma_start3A_366] : memref<100000x500xf32, #tpu.memory_space<any>> -> memref<1x500xf32, #tpu.memory_space<any>>
        tpu.enqueue_dma source(%dma_start3A_367 : memref<1x500xf32, #tpu.memory_space<any>>) target(%dma_start3A_365 : memref<1x500xf32, #tpu.memory_space<vmem>>) target_semaphore(%arg39 : memref<!tpu.dma_semaphore, #tpu.memory_space<semaphore_mem>>)
        %add3A_368 = arith.constant 4 : i32
        %add3A_369 = arith.addi %add3A_256, %add3A_368 : i32
        %mul3A_370 = arith.constant 8 : i32
        %mul3A_371 = arith.muli %scan3A_251, %mul3A_370 : i32
        %add3A_372 = arith.constant 4 : i32
        %add3A_373 = arith.addi %mul3A_371, %add3A_372 : i32
        %get3A_374 = arith.index_cast %add3A_369 : i32 to index
        %get3A_375 = memref.load %arg1[%get3A_374] : memref<1024xi32, #tpu.memory_space<smem>>
        %get3A_376 = arith.index_cast %add3A_369 : i32 to index
        %get3A_377 = memref.load %arg2[%get3A_376] : memref<1024xi32, #tpu.memory_space<smem>>
        %dma_start3A_378 = arith.constant 1 : i32
        %dma_start3A_379 = arith.constant 0 : i32
        %dma_start3A_380 = tpu.memref_slice %arg35[%dma_start3A_378, %add3A_373, %dma_start3A_379] : memref<2x256x500xf32, #tpu.memory_space<vmem>> -> memref<1x1x500xf32, #tpu.memory_space<vmem>>
        %dma_start3A_381 = tpu.memref_squeeze %dma_start3A_380 : memref<1x1x500xf32, #tpu.memory_space<vmem>> -> memref<1x500xf32, #tpu.memory_space<vmem>>
        %dma_start3A_382 = arith.constant 0 : i32
        %dma_start3A_383 = tpu.memref_slice %arg7[%get3A_375, %dma_start3A_382] : memref<100000x500xf32, #tpu.memory_space<any>> -> memref<1x500xf32, #tpu.memory_space<any>>
        tpu.enqueue_dma source(%dma_start3A_383 : memref<1x500xf32, #tpu.memory_space<any>>) target(%dma_start3A_381 : memref<1x500xf32, #tpu.memory_space<vmem>>) target_semaphore(%arg39 : memref<!tpu.dma_semaphore, #tpu.memory_space<semaphore_mem>>)
        %dma_start3A_384 = arith.constant 1 : i32
        %dma_start3A_385 = arith.constant 0 : i32
        %dma_start3A_386 = tpu.memref_slice %arg37[%dma_start3A_384, %add3A_373, %dma_start3A_385] : memref<2x256x500xf32, #tpu.memory_space<vmem>> -> memref<1x1x500xf32, #tpu.memory_space<vmem>>
        %dma_start3A_387 = tpu.memref_squeeze %dma_start3A_386 : memref<1x1x500xf32, #tpu.memory_space<vmem>> -> memref<1x500xf32, #tpu.memory_space<vmem>>
        %dma_start3A_388 = arith.constant 0 : i32
        %dma_start3A_389 = tpu.memref_slice %arg8[%get3A_375, %dma_start3A_388] : memref<100000x500xf32, #tpu.memory_space<any>> -> memref<1x500xf32, #tpu.memory_space<any>>
        tpu.enqueue_dma source(%dma_start3A_389 : memref<1x500xf32, #tpu.memory_space<any>>) target(%dma_start3A_387 : memref<1x500xf32, #tpu.memory_space<vmem>>) target_semaphore(%arg39 : memref<!tpu.dma_semaphore, #tpu.memory_space<semaphore_mem>>)
        %dma_start3A_390 = arith.constant 1 : i32
        %dma_start3A_391 = arith.constant 0 : i32
        %dma_start3A_392 = tpu.memref_slice %arg36[%dma_start3A_390, %add3A_373, %dma_start3A_391] : memref<2x256x500xf32, #tpu.memory_space<vmem>> -> memref<1x1x500xf32, #tpu.memory_space<vmem>>
        %dma_start3A_393 = tpu.memref_squeeze %dma_start3A_392 : memref<1x1x500xf32, #tpu.memory_space<vmem>> -> memref<1x500xf32, #tpu.memory_space<vmem>>
        %dma_start3A_394 = arith.constant 0 : i32
        %dma_start3A_395 = tpu.memref_slice %arg7[%get3A_377, %dma_start3A_394] : memref<100000x500xf32, #tpu.memory_space<any>> -> memref<1x500xf32, #tpu.memory_space<any>>
        tpu.enqueue_dma source(%dma_start3A_395 : memref<1x500xf32, #tpu.memory_space<any>>) target(%dma_start3A_393 : memref<1x500xf32, #tpu.memory_space<vmem>>) target_semaphore(%arg39 : memref<!tpu.dma_semaphore, #tpu.memory_space<semaphore_mem>>)
        %add3A_396 = arith.constant 5 : i32
        %add3A_397 = arith.addi %add3A_256, %add3A_396 : i32
        %mul3A_398 = arith.constant 8 : i32
        %mul3A_399 = arith.muli %scan3A_251, %mul3A_398 : i32
        %add3A_400 = arith.constant 5 : i32
        %add3A_401 = arith.addi %mul3A_399, %add3A_400 : i32
        %get3A_402 = arith.index_cast %add3A_397 : i32 to index
        %get3A_403 = memref.load %arg1[%get3A_402] : memref<1024xi32, #tpu.memory_space<smem>>
        %get3A_404 = arith.index_cast %add3A_397 : i32 to index
        %get3A_405 = memref.load %arg2[%get3A_404] : memref<1024xi32, #tpu.memory_space<smem>>
        %dma_start3A_406 = arith.constant 1 : i32
        %dma_start3A_407 = arith.constant 0 : i32
        %dma_start3A_408 = tpu.memref_slice %arg35[%dma_start3A_406, %add3A_401, %dma_start3A_407] : memref<2x256x500xf32, #tpu.memory_space<vmem>> -> memref<1x1x500xf32, #tpu.memory_space<vmem>>
        %dma_start3A_409 = tpu.memref_squeeze %dma_start3A_408 : memref<1x1x500xf32, #tpu.memory_space<vmem>> -> memref<1x500xf32, #tpu.memory_space<vmem>>
        %dma_start3A_410 = arith.constant 0 : i32
        %dma_start3A_411 = tpu.memref_slice %arg7[%get3A_403, %dma_start3A_410] : memref<100000x500xf32, #tpu.memory_space<any>> -> memref<1x500xf32, #tpu.memory_space<any>>
        tpu.enqueue_dma source(%dma_start3A_411 : memref<1x500xf32, #tpu.memory_space<any>>) target(%dma_start3A_409 : memref<1x500xf32, #tpu.memory_space<vmem>>) target_semaphore(%arg39 : memref<!tpu.dma_semaphore, #tpu.memory_space<semaphore_mem>>)
        %dma_start3A_412 = arith.constant 1 : i32
        %dma_start3A_413 = arith.constant 0 : i32
        %dma_start3A_414 = tpu.memref_slice %arg37[%dma_start3A_412, %add3A_401, %dma_start3A_413] : memref<2x256x500xf32, #tpu.memory_space<vmem>> -> memref<1x1x500xf32, #tpu.memory_space<vmem>>
        %dma_start3A_415 = tpu.memref_squeeze %dma_start3A_414 : memref<1x1x500xf32, #tpu.memory_space<vmem>> -> memref<1x500xf32, #tpu.memory_space<vmem>>
        %dma_start3A_416 = arith.constant 0 : i32
        %dma_start3A_417 = tpu.memref_slice %arg8[%get3A_403, %dma_start3A_416] : memref<100000x500xf32, #tpu.memory_space<any>> -> memref<1x500xf32, #tpu.memory_space<any>>
        tpu.enqueue_dma source(%dma_start3A_417 : memref<1x500xf32, #tpu.memory_space<any>>) target(%dma_start3A_415 : memref<1x500xf32, #tpu.memory_space<vmem>>) target_semaphore(%arg39 : memref<!tpu.dma_semaphore, #tpu.memory_space<semaphore_mem>>)
        %dma_start3A_418 = arith.constant 1 : i32
        %dma_start3A_419 = arith.constant 0 : i32
        %dma_start3A_420 = tpu.memref_slice %arg36[%dma_start3A_418, %add3A_401, %dma_start3A_419] : memref<2x256x500xf32, #tpu.memory_space<vmem>> -> memref<1x1x500xf32, #tpu.memory_space<vmem>>
        %dma_start3A_421 = tpu.memref_squeeze %dma_start3A_420 : memref<1x1x500xf32, #tpu.memory_space<vmem>> -> memref<1x500xf32, #tpu.memory_space<vmem>>
        %dma_start3A_422 = arith.constant 0 : i32
        %dma_start3A_423 = tpu.memref_slice %arg7[%get3A_405, %dma_start3A_422] : memref<100000x500xf32, #tpu.memory_space<any>> -> memref<1x500xf32, #tpu.memory_space<any>>
        tpu.enqueue_dma source(%dma_start3A_423 : memref<1x500xf32, #tpu.memory_space<any>>) target(%dma_start3A_421 : memref<1x500xf32, #tpu.memory_space<vmem>>) target_semaphore(%arg39 : memref<!tpu.dma_semaphore, #tpu.memory_space<semaphore_mem>>)
        %add3A_424 = arith.constant 6 : i32
        %add3A_425 = arith.addi %add3A_256, %add3A_424 : i32
        %mul3A_426 = arith.constant 8 : i32
        %mul3A_427 = arith.muli %scan3A_251, %mul3A_426 : i32
        %add3A_428 = arith.constant 6 : i32
        %add3A_429 = arith.addi %mul3A_427, %add3A_428 : i32
        %get3A_430 = arith.index_cast %add3A_425 : i32 to index
        %get3A_431 = memref.load %arg1[%get3A_430] : memref<1024xi32, #tpu.memory_space<smem>>
        %get3A_432 = arith.index_cast %add3A_425 : i32 to index
        %get3A_433 = memref.load %arg2[%get3A_432] : memref<1024xi32, #tpu.memory_space<smem>>
        %dma_start3A_434 = arith.constant 1 : i32
        %dma_start3A_435 = arith.constant 0 : i32
        %dma_start3A_436 = tpu.memref_slice %arg35[%dma_start3A_434, %add3A_429, %dma_start3A_435] : memref<2x256x500xf32, #tpu.memory_space<vmem>> -> memref<1x1x500xf32, #tpu.memory_space<vmem>>
        %dma_start3A_437 = tpu.memref_squeeze %dma_start3A_436 : memref<1x1x500xf32, #tpu.memory_space<vmem>> -> memref<1x500xf32, #tpu.memory_space<vmem>>
        %dma_start3A_438 = arith.constant 0 : i32
        %dma_start3A_439 = tpu.memref_slice %arg7[%get3A_431, %dma_start3A_438] : memref<100000x500xf32, #tpu.memory_space<any>> -> memref<1x500xf32, #tpu.memory_space<any>>
        tpu.enqueue_dma source(%dma_start3A_439 : memref<1x500xf32, #tpu.memory_space<any>>) target(%dma_start3A_437 : memref<1x500xf32, #tpu.memory_space<vmem>>) target_semaphore(%arg39 : memref<!tpu.dma_semaphore, #tpu.memory_space<semaphore_mem>>)
        %dma_start3A_440 = arith.constant 1 : i32
        %dma_start3A_441 = arith.constant 0 : i32
        %dma_start3A_442 = tpu.memref_slice %arg37[%dma_start3A_440, %add3A_429, %dma_start3A_441] : memref<2x256x500xf32, #tpu.memory_space<vmem>> -> memref<1x1x500xf32, #tpu.memory_space<vmem>>
        %dma_start3A_443 = tpu.memref_squeeze %dma_start3A_442 : memref<1x1x500xf32, #tpu.memory_space<vmem>> -> memref<1x500xf32, #tpu.memory_space<vmem>>
        %dma_start3A_444 = arith.constant 0 : i32
        %dma_start3A_445 = tpu.memref_slice %arg8[%get3A_431, %dma_start3A_444] : memref<100000x500xf32, #tpu.memory_space<any>> -> memref<1x500xf32, #tpu.memory_space<any>>
        tpu.enqueue_dma source(%dma_start3A_445 : memref<1x500xf32, #tpu.memory_space<any>>) target(%dma_start3A_443 : memref<1x500xf32, #tpu.memory_space<vmem>>) target_semaphore(%arg39 : memref<!tpu.dma_semaphore, #tpu.memory_space<semaphore_mem>>)
        %dma_start3A_446 = arith.constant 1 : i32
        %dma_start3A_447 = arith.constant 0 : i32
        %dma_start3A_448 = tpu.memref_slice %arg36[%dma_start3A_446, %add3A_429, %dma_start3A_447] : memref<2x256x500xf32, #tpu.memory_space<vmem>> -> memref<1x1x500xf32, #tpu.memory_space<vmem>>
        %dma_start3A_449 = tpu.memref_squeeze %dma_start3A_448 : memref<1x1x500xf32, #tpu.memory_space<vmem>> -> memref<1x500xf32, #tpu.memory_space<vmem>>
        %dma_start3A_450 = arith.constant 0 : i32
        %dma_start3A_451 = tpu.memref_slice %arg7[%get3A_433, %dma_start3A_450] : memref<100000x500xf32, #tpu.memory_space<any>> -> memref<1x500xf32, #tpu.memory_space<any>>
        tpu.enqueue_dma source(%dma_start3A_451 : memref<1x500xf32, #tpu.memory_space<any>>) target(%dma_start3A_449 : memref<1x500xf32, #tpu.memory_space<vmem>>) target_semaphore(%arg39 : memref<!tpu.dma_semaphore, #tpu.memory_space<semaphore_mem>>)
        %add3A_452 = arith.constant 7 : i32
        %add3A_453 = arith.addi %add3A_256, %add3A_452 : i32
        %mul3A_454 = arith.constant 8 : i32
        %mul3A_455 = arith.muli %scan3A_251, %mul3A_454 : i32
        %add3A_456 = arith.constant 7 : i32
        %add3A_457 = arith.addi %mul3A_455, %add3A_456 : i32
        %get3A_458 = arith.index_cast %add3A_453 : i32 to index
        %get3A_459 = memref.load %arg1[%get3A_458] : memref<1024xi32, #tpu.memory_space<smem>>
        %get3A_460 = arith.index_cast %add3A_453 : i32 to index
        %get3A_461 = memref.load %arg2[%get3A_460] : memref<1024xi32, #tpu.memory_space<smem>>
        %dma_start3A_462 = arith.constant 1 : i32
        %dma_start3A_463 = arith.constant 0 : i32
        %dma_start3A_464 = tpu.memref_slice %arg35[%dma_start3A_462, %add3A_457, %dma_start3A_463] : memref<2x256x500xf32, #tpu.memory_space<vmem>> -> memref<1x1x500xf32, #tpu.memory_space<vmem>>
        %dma_start3A_465 = tpu.memref_squeeze %dma_start3A_464 : memref<1x1x500xf32, #tpu.memory_space<vmem>> -> memref<1x500xf32, #tpu.memory_space<vmem>>
        %dma_start3A_466 = arith.constant 0 : i32
        %dma_start3A_467 = tpu.memref_slice %arg7[%get3A_459, %dma_start3A_466] : memref<100000x500xf32, #tpu.memory_space<any>> -> memref<1x500xf32, #tpu.memory_space<any>>
        tpu.enqueue_dma source(%dma_start3A_467 : memref<1x500xf32, #tpu.memory_space<any>>) target(%dma_start3A_465 : memref<1x500xf32, #tpu.memory_space<vmem>>) target_semaphore(%arg39 : memref<!tpu.dma_semaphore, #tpu.memory_space<semaphore_mem>>)
        %dma_start3A_468 = arith.constant 1 : i32
        %dma_start3A_469 = arith.constant 0 : i32
        %dma_start3A_470 = tpu.memref_slice %arg37[%dma_start3A_468, %add3A_457, %dma_start3A_469] : memref<2x256x500xf32, #tpu.memory_space<vmem>> -> memref<1x1x500xf32, #tpu.memory_space<vmem>>
        %dma_start3A_471 = tpu.memref_squeeze %dma_start3A_470 : memref<1x1x500xf32, #tpu.memory_space<vmem>> -> memref<1x500xf32, #tpu.memory_space<vmem>>
        %dma_start3A_472 = arith.constant 0 : i32
        %dma_start3A_473 = tpu.memref_slice %arg8[%get3A_459, %dma_start3A_472] : memref<100000x500xf32, #tpu.memory_space<any>> -> memref<1x500xf32, #tpu.memory_space<any>>
        tpu.enqueue_dma source(%dma_start3A_473 : memref<1x500xf32, #tpu.memory_space<any>>) target(%dma_start3A_471 : memref<1x500xf32, #tpu.memory_space<vmem>>) target_semaphore(%arg39 : memref<!tpu.dma_semaphore, #tpu.memory_space<semaphore_mem>>)
        %dma_start3A_474 = arith.constant 1 : i32
        %dma_start3A_475 = arith.constant 0 : i32
        %dma_start3A_476 = tpu.memref_slice %arg36[%dma_start3A_474, %add3A_457, %dma_start3A_475] : memref<2x256x500xf32, #tpu.memory_space<vmem>> -> memref<1x1x500xf32, #tpu.memory_space<vmem>>
        %dma_start3A_477 = tpu.memref_squeeze %dma_start3A_476 : memref<1x1x500xf32, #tpu.memory_space<vmem>> -> memref<1x500xf32, #tpu.memory_space<vmem>>
        %dma_start3A_478 = arith.constant 0 : i32
        %dma_start3A_479 = tpu.memref_slice %arg7[%get3A_461, %dma_start3A_478] : memref<100000x500xf32, #tpu.memory_space<any>> -> memref<1x500xf32, #tpu.memory_space<any>>
        tpu.enqueue_dma source(%dma_start3A_479 : memref<1x500xf32, #tpu.memory_space<any>>) target(%dma_start3A_477 : memref<1x500xf32, #tpu.memory_space<vmem>>) target_semaphore(%arg39 : memref<!tpu.dma_semaphore, #tpu.memory_space<semaphore_mem>>)
      }
      %scan3A_250 = arith.constant 32 : i32
    } else {
    }
    %ge3A = arith.constant 1 : i32
    %ge3A_2 = arith.cmpi sge, %arg0, %ge3A : i32
    %add3A = arith.constant 1 : i32
    %add3A_3 = arith.addi %arg0, %add3A : i32
    %lt3A = arith.constant 4 : i32
    %lt3A_4 = arith.cmpi slt, %add3A_3, %lt3A : i32
    %and3A = arith.andi %ge3A_2, %lt3A_4 : i1
    %convert_element_type3A_5 = arith.extui %and3A : i1 to i32
    %cond3A_6 = arith.constant 0 : i32
    %cond3A_7 = arith.cmpi ne, %convert_element_type3A_5, %cond3A_6 : i32
    scf.if %cond3A_7 {
      %add3A_240 = arith.constant 1 : i32
      %add3A_241 = arith.addi %arg0, %add3A_240 : i32
      %rem3A_242 = arith.constant 2 : i32
      %rem3A_243 = arith.remsi %add3A_241, %rem3A_242 : i32
      %eq3A_244 = arith.constant 0 : i32
      %eq3A_245 = arith.cmpi eq, %rem3A_243, %eq3A_244 : i32
      %convert_element_type3A_246 = arith.extui %eq3A_245 : i1 to i32
      %cond3A_247 = arith.constant 0 : i32
      %cond3A_248 = arith.cmpi ne, %convert_element_type3A_246, %cond3A_247 : i32
      scf.if %cond3A_248 {
        %scan3A = arith.constant 0 : i32
        %scan3A_256 = arith.constant 32 : i32
        %scan3A_257 = arith.addi %scan3A, %scan3A_256 : i32
        %scan3A_258 = arith.constant 1 : i32
        scf.for %scan3A_260 = %scan3A to %scan3A_257 step %scan3A_258  : i32 {
          %mul3A_261 = arith.constant 256 : i32
          %mul3A_262 = arith.muli %add3A_241, %mul3A_261 : i32
          %mul3A_263 = arith.constant 8 : i32
          %mul3A_264 = arith.muli %scan3A_260, %mul3A_263 : i32
          %add3A_265 = arith.addi %mul3A_262, %mul3A_264 : i32
          %add3A_266 = arith.constant 0 : i32
          %add3A_267 = arith.addi %add3A_265, %add3A_266 : i32
          %mul3A_268 = arith.constant 8 : i32
          %mul3A_269 = arith.muli %scan3A_260, %mul3A_268 : i32
          %add3A_270 = arith.constant 0 : i32
          %add3A_271 = arith.addi %mul3A_269, %add3A_270 : i32
          %get3A_272 = arith.index_cast %add3A_267 : i32 to index
          %get3A_273 = memref.load %arg1[%get3A_272] : memref<1024xi32, #tpu.memory_space<smem>>
          %get3A_274 = arith.index_cast %add3A_267 : i32 to index
          %get3A_275 = memref.load %arg2[%get3A_274] : memref<1024xi32, #tpu.memory_space<smem>>
          %dma_start3A = arith.constant 0 : i32
          %dma_start3A_276 = arith.constant 0 : i32
          %dma_start3A_277 = tpu.memref_slice %arg35[%dma_start3A, %add3A_271, %dma_start3A_276] : memref<2x256x500xf32, #tpu.memory_space<vmem>> -> memref<1x1x500xf32, #tpu.memory_space<vmem>>
          %dma_start3A_278 = tpu.memref_squeeze %dma_start3A_277 : memref<1x1x500xf32, #tpu.memory_space<vmem>> -> memref<1x500xf32, #tpu.memory_space<vmem>>
          %dma_start3A_279 = arith.constant 0 : i32
          %dma_start3A_280 = tpu.memref_slice %arg7[%get3A_273, %dma_start3A_279] : memref<100000x500xf32, #tpu.memory_space<any>> -> memref<1x500xf32, #tpu.memory_space<any>>
          tpu.enqueue_dma source(%dma_start3A_280 : memref<1x500xf32, #tpu.memory_space<any>>) target(%dma_start3A_278 : memref<1x500xf32, #tpu.memory_space<vmem>>) target_semaphore(%arg38 : memref<!tpu.dma_semaphore, #tpu.memory_space<semaphore_mem>>)
          %dma_start3A_281 = arith.constant 0 : i32
          %dma_start3A_282 = arith.constant 0 : i32
          %dma_start3A_283 = tpu.memref_slice %arg37[%dma_start3A_281, %add3A_271, %dma_start3A_282] : memref<2x256x500xf32, #tpu.memory_space<vmem>> -> memref<1x1x500xf32, #tpu.memory_space<vmem>>
          %dma_start3A_284 = tpu.memref_squeeze %dma_start3A_283 : memref<1x1x500xf32, #tpu.memory_space<vmem>> -> memref<1x500xf32, #tpu.memory_space<vmem>>
          %dma_start3A_285 = arith.constant 0 : i32
          %dma_start3A_286 = tpu.memref_slice %arg8[%get3A_273, %dma_start3A_285] : memref<100000x500xf32, #tpu.memory_space<any>> -> memref<1x500xf32, #tpu.memory_space<any>>
          tpu.enqueue_dma source(%dma_start3A_286 : memref<1x500xf32, #tpu.memory_space<any>>) target(%dma_start3A_284 : memref<1x500xf32, #tpu.memory_space<vmem>>) target_semaphore(%arg38 : memref<!tpu.dma_semaphore, #tpu.memory_space<semaphore_mem>>)
          %dma_start3A_287 = arith.constant 0 : i32
          %dma_start3A_288 = arith.constant 0 : i32
          %dma_start3A_289 = tpu.memref_slice %arg36[%dma_start3A_287, %add3A_271, %dma_start3A_288] : memref<2x256x500xf32, #tpu.memory_space<vmem>> -> memref<1x1x500xf32, #tpu.memory_space<vmem>>
          %dma_start3A_290 = tpu.memref_squeeze %dma_start3A_289 : memref<1x1x500xf32, #tpu.memory_space<vmem>> -> memref<1x500xf32, #tpu.memory_space<vmem>>
          %dma_start3A_291 = arith.constant 0 : i32
          %dma_start3A_292 = tpu.memref_slice %arg7[%get3A_275, %dma_start3A_291] : memref<100000x500xf32, #tpu.memory_space<any>> -> memref<1x500xf32, #tpu.memory_space<any>>
          tpu.enqueue_dma source(%dma_start3A_292 : memref<1x500xf32, #tpu.memory_space<any>>) target(%dma_start3A_290 : memref<1x500xf32, #tpu.memory_space<vmem>>) target_semaphore(%arg38 : memref<!tpu.dma_semaphore, #tpu.memory_space<semaphore_mem>>)
          %add3A_293 = arith.constant 1 : i32
          %add3A_294 = arith.addi %add3A_265, %add3A_293 : i32
          %mul3A_295 = arith.constant 8 : i32
          %mul3A_296 = arith.muli %scan3A_260, %mul3A_295 : i32
          %add3A_297 = arith.constant 1 : i32
          %add3A_298 = arith.addi %mul3A_296, %add3A_297 : i32
          %get3A_299 = arith.index_cast %add3A_294 : i32 to index
          %get3A_300 = memref.load %arg1[%get3A_299] : memref<1024xi32, #tpu.memory_space<smem>>
          %get3A_301 = arith.index_cast %add3A_294 : i32 to index
          %get3A_302 = memref.load %arg2[%get3A_301] : memref<1024xi32, #tpu.memory_space<smem>>
          %dma_start3A_303 = arith.constant 0 : i32
          %dma_start3A_304 = arith.constant 0 : i32
          %dma_start3A_305 = tpu.memref_slice %arg35[%dma_start3A_303, %add3A_298, %dma_start3A_304] : memref<2x256x500xf32, #tpu.memory_space<vmem>> -> memref<1x1x500xf32, #tpu.memory_space<vmem>>
          %dma_start3A_306 = tpu.memref_squeeze %dma_start3A_305 : memref<1x1x500xf32, #tpu.memory_space<vmem>> -> memref<1x500xf32, #tpu.memory_space<vmem>>
          %dma_start3A_307 = arith.constant 0 : i32
          %dma_start3A_308 = tpu.memref_slice %arg7[%get3A_300, %dma_start3A_307] : memref<100000x500xf32, #tpu.memory_space<any>> -> memref<1x500xf32, #tpu.memory_space<any>>
          tpu.enqueue_dma source(%dma_start3A_308 : memref<1x500xf32, #tpu.memory_space<any>>) target(%dma_start3A_306 : memref<1x500xf32, #tpu.memory_space<vmem>>) target_semaphore(%arg38 : memref<!tpu.dma_semaphore, #tpu.memory_space<semaphore_mem>>)
          %dma_start3A_309 = arith.constant 0 : i32
          %dma_start3A_310 = arith.constant 0 : i32
          %dma_start3A_311 = tpu.memref_slice %arg37[%dma_start3A_309, %add3A_298, %dma_start3A_310] : memref<2x256x500xf32, #tpu.memory_space<vmem>> -> memref<1x1x500xf32, #tpu.memory_space<vmem>>
          %dma_start3A_312 = tpu.memref_squeeze %dma_start3A_311 : memref<1x1x500xf32, #tpu.memory_space<vmem>> -> memref<1x500xf32, #tpu.memory_space<vmem>>
          %dma_start3A_313 = arith.constant 0 : i32
          %dma_start3A_314 = tpu.memref_slice %arg8[%get3A_300, %dma_start3A_313] : memref<100000x500xf32, #tpu.memory_space<any>> -> memref<1x500xf32, #tpu.memory_space<any>>
          tpu.enqueue_dma source(%dma_start3A_314 : memref<1x500xf32, #tpu.memory_space<any>>) target(%dma_start3A_312 : memref<1x500xf32, #tpu.memory_space<vmem>>) target_semaphore(%arg38 : memref<!tpu.dma_semaphore, #tpu.memory_space<semaphore_mem>>)
          %dma_start3A_315 = arith.constant 0 : i32
          %dma_start3A_316 = arith.constant 0 : i32
          %dma_start3A_317 = tpu.memref_slice %arg36[%dma_start3A_315, %add3A_298, %dma_start3A_316] : memref<2x256x500xf32, #tpu.memory_space<vmem>> -> memref<1x1x500xf32, #tpu.memory_space<vmem>>
          %dma_start3A_318 = tpu.memref_squeeze %dma_start3A_317 : memref<1x1x500xf32, #tpu.memory_space<vmem>> -> memref<1x500xf32, #tpu.memory_space<vmem>>
          %dma_start3A_319 = arith.constant 0 : i32
          %dma_start3A_320 = tpu.memref_slice %arg7[%get3A_302, %dma_start3A_319] : memref<100000x500xf32, #tpu.memory_space<any>> -> memref<1x500xf32, #tpu.memory_space<any>>
          tpu.enqueue_dma source(%dma_start3A_320 : memref<1x500xf32, #tpu.memory_space<any>>) target(%dma_start3A_318 : memref<1x500xf32, #tpu.memory_space<vmem>>) target_semaphore(%arg38 : memref<!tpu.dma_semaphore, #tpu.memory_space<semaphore_mem>>)
          %add3A_321 = arith.constant 2 : i32
          %add3A_322 = arith.addi %add3A_265, %add3A_321 : i32
          %mul3A_323 = arith.constant 8 : i32
          %mul3A_324 = arith.muli %scan3A_260, %mul3A_323 : i32
          %add3A_325 = arith.constant 2 : i32
          %add3A_326 = arith.addi %mul3A_324, %add3A_325 : i32
          %get3A_327 = arith.index_cast %add3A_322 : i32 to index
          %get3A_328 = memref.load %arg1[%get3A_327] : memref<1024xi32, #tpu.memory_space<smem>>
          %get3A_329 = arith.index_cast %add3A_322 : i32 to index
          %get3A_330 = memref.load %arg2[%get3A_329] : memref<1024xi32, #tpu.memory_space<smem>>
          %dma_start3A_331 = arith.constant 0 : i32
          %dma_start3A_332 = arith.constant 0 : i32
          %dma_start3A_333 = tpu.memref_slice %arg35[%dma_start3A_331, %add3A_326, %dma_start3A_332] : memref<2x256x500xf32, #tpu.memory_space<vmem>> -> memref<1x1x500xf32, #tpu.memory_space<vmem>>
          %dma_start3A_334 = tpu.memref_squeeze %dma_start3A_333 : memref<1x1x500xf32, #tpu.memory_space<vmem>> -> memref<1x500xf32, #tpu.memory_space<vmem>>
          %dma_start3A_335 = arith.constant 0 : i32
          %dma_start3A_336 = tpu.memref_slice %arg7[%get3A_328, %dma_start3A_335] : memref<100000x500xf32, #tpu.memory_space<any>> -> memref<1x500xf32, #tpu.memory_space<any>>
          tpu.enqueue_dma source(%dma_start3A_336 : memref<1x500xf32, #tpu.memory_space<any>>) target(%dma_start3A_334 : memref<1x500xf32, #tpu.memory_space<vmem>>) target_semaphore(%arg38 : memref<!tpu.dma_semaphore, #tpu.memory_space<semaphore_mem>>)
          %dma_start3A_337 = arith.constant 0 : i32
          %dma_start3A_338 = arith.constant 0 : i32
          %dma_start3A_339 = tpu.memref_slice %arg37[%dma_start3A_337, %add3A_326, %dma_start3A_338] : memref<2x256x500xf32, #tpu.memory_space<vmem>> -> memref<1x1x500xf32, #tpu.memory_space<vmem>>
          %dma_start3A_340 = tpu.memref_squeeze %dma_start3A_339 : memref<1x1x500xf32, #tpu.memory_space<vmem>> -> memref<1x500xf32, #tpu.memory_space<vmem>>
          %dma_start3A_341 = arith.constant 0 : i32
          %dma_start3A_342 = tpu.memref_slice %arg8[%get3A_328, %dma_start3A_341] : memref<100000x500xf32, #tpu.memory_space<any>> -> memref<1x500xf32, #tpu.memory_space<any>>
          tpu.enqueue_dma source(%dma_start3A_342 : memref<1x500xf32, #tpu.memory_space<any>>) target(%dma_start3A_340 : memref<1x500xf32, #tpu.memory_space<vmem>>) target_semaphore(%arg38 : memref<!tpu.dma_semaphore, #tpu.memory_space<semaphore_mem>>)
          %dma_start3A_343 = arith.constant 0 : i32
          %dma_start3A_344 = arith.constant 0 : i32
          %dma_start3A_345 = tpu.memref_slice %arg36[%dma_start3A_343, %add3A_326, %dma_start3A_344] : memref<2x256x500xf32, #tpu.memory_space<vmem>> -> memref<1x1x500xf32, #tpu.memory_space<vmem>>
          %dma_start3A_346 = tpu.memref_squeeze %dma_start3A_345 : memref<1x1x500xf32, #tpu.memory_space<vmem>> -> memref<1x500xf32, #tpu.memory_space<vmem>>
          %dma_start3A_347 = arith.constant 0 : i32
          %dma_start3A_348 = tpu.memref_slice %arg7[%get3A_330, %dma_start3A_347] : memref<100000x500xf32, #tpu.memory_space<any>> -> memref<1x500xf32, #tpu.memory_space<any>>
          tpu.enqueue_dma source(%dma_start3A_348 : memref<1x500xf32, #tpu.memory_space<any>>) target(%dma_start3A_346 : memref<1x500xf32, #tpu.memory_space<vmem>>) target_semaphore(%arg38 : memref<!tpu.dma_semaphore, #tpu.memory_space<semaphore_mem>>)
          %add3A_349 = arith.constant 3 : i32
          %add3A_350 = arith.addi %add3A_265, %add3A_349 : i32
          %mul3A_351 = arith.constant 8 : i32
          %mul3A_352 = arith.muli %scan3A_260, %mul3A_351 : i32
          %add3A_353 = arith.constant 3 : i32
          %add3A_354 = arith.addi %mul3A_352, %add3A_353 : i32
          %get3A_355 = arith.index_cast %add3A_350 : i32 to index
          %get3A_356 = memref.load %arg1[%get3A_355] : memref<1024xi32, #tpu.memory_space<smem>>
          %get3A_357 = arith.index_cast %add3A_350 : i32 to index
          %get3A_358 = memref.load %arg2[%get3A_357] : memref<1024xi32, #tpu.memory_space<smem>>
          %dma_start3A_359 = arith.constant 0 : i32
          %dma_start3A_360 = arith.constant 0 : i32
          %dma_start3A_361 = tpu.memref_slice %arg35[%dma_start3A_359, %add3A_354, %dma_start3A_360] : memref<2x256x500xf32, #tpu.memory_space<vmem>> -> memref<1x1x500xf32, #tpu.memory_space<vmem>>
          %dma_start3A_362 = tpu.memref_squeeze %dma_start3A_361 : memref<1x1x500xf32, #tpu.memory_space<vmem>> -> memref<1x500xf32, #tpu.memory_space<vmem>>
          %dma_start3A_363 = arith.constant 0 : i32
          %dma_start3A_364 = tpu.memref_slice %arg7[%get3A_356, %dma_start3A_363] : memref<100000x500xf32, #tpu.memory_space<any>> -> memref<1x500xf32, #tpu.memory_space<any>>
          tpu.enqueue_dma source(%dma_start3A_364 : memref<1x500xf32, #tpu.memory_space<any>>) target(%dma_start3A_362 : memref<1x500xf32, #tpu.memory_space<vmem>>) target_semaphore(%arg38 : memref<!tpu.dma_semaphore, #tpu.memory_space<semaphore_mem>>)
          %dma_start3A_365 = arith.constant 0 : i32
          %dma_start3A_366 = arith.constant 0 : i32
          %dma_start3A_367 = tpu.memref_slice %arg37[%dma_start3A_365, %add3A_354, %dma_start3A_366] : memref<2x256x500xf32, #tpu.memory_space<vmem>> -> memref<1x1x500xf32, #tpu.memory_space<vmem>>
          %dma_start3A_368 = tpu.memref_squeeze %dma_start3A_367 : memref<1x1x500xf32, #tpu.memory_space<vmem>> -> memref<1x500xf32, #tpu.memory_space<vmem>>
          %dma_start3A_369 = arith.constant 0 : i32
          %dma_start3A_370 = tpu.memref_slice %arg8[%get3A_356, %dma_start3A_369] : memref<100000x500xf32, #tpu.memory_space<any>> -> memref<1x500xf32, #tpu.memory_space<any>>
          tpu.enqueue_dma source(%dma_start3A_370 : memref<1x500xf32, #tpu.memory_space<any>>) target(%dma_start3A_368 : memref<1x500xf32, #tpu.memory_space<vmem>>) target_semaphore(%arg38 : memref<!tpu.dma_semaphore, #tpu.memory_space<semaphore_mem>>)
          %dma_start3A_371 = arith.constant 0 : i32
          %dma_start3A_372 = arith.constant 0 : i32
          %dma_start3A_373 = tpu.memref_slice %arg36[%dma_start3A_371, %add3A_354, %dma_start3A_372] : memref<2x256x500xf32, #tpu.memory_space<vmem>> -> memref<1x1x500xf32, #tpu.memory_space<vmem>>
          %dma_start3A_374 = tpu.memref_squeeze %dma_start3A_373 : memref<1x1x500xf32, #tpu.memory_space<vmem>> -> memref<1x500xf32, #tpu.memory_space<vmem>>
          %dma_start3A_375 = arith.constant 0 : i32
          %dma_start3A_376 = tpu.memref_slice %arg7[%get3A_358, %dma_start3A_375] : memref<100000x500xf32, #tpu.memory_space<any>> -> memref<1x500xf32, #tpu.memory_space<any>>
          tpu.enqueue_dma source(%dma_start3A_376 : memref<1x500xf32, #tpu.memory_space<any>>) target(%dma_start3A_374 : memref<1x500xf32, #tpu.memory_space<vmem>>) target_semaphore(%arg38 : memref<!tpu.dma_semaphore, #tpu.memory_space<semaphore_mem>>)
          %add3A_377 = arith.constant 4 : i32
          %add3A_378 = arith.addi %add3A_265, %add3A_377 : i32
          %mul3A_379 = arith.constant 8 : i32
          %mul3A_380 = arith.muli %scan3A_260, %mul3A_379 : i32
          %add3A_381 = arith.constant 4 : i32
          %add3A_382 = arith.addi %mul3A_380, %add3A_381 : i32
          %get3A_383 = arith.index_cast %add3A_378 : i32 to index
          %get3A_384 = memref.load %arg1[%get3A_383] : memref<1024xi32, #tpu.memory_space<smem>>
          %get3A_385 = arith.index_cast %add3A_378 : i32 to index
          %get3A_386 = memref.load %arg2[%get3A_385] : memref<1024xi32, #tpu.memory_space<smem>>
          %dma_start3A_387 = arith.constant 0 : i32
          %dma_start3A_388 = arith.constant 0 : i32
          %dma_start3A_389 = tpu.memref_slice %arg35[%dma_start3A_387, %add3A_382, %dma_start3A_388] : memref<2x256x500xf32, #tpu.memory_space<vmem>> -> memref<1x1x500xf32, #tpu.memory_space<vmem>>
          %dma_start3A_390 = tpu.memref_squeeze %dma_start3A_389 : memref<1x1x500xf32, #tpu.memory_space<vmem>> -> memref<1x500xf32, #tpu.memory_space<vmem>>
          %dma_start3A_391 = arith.constant 0 : i32
          %dma_start3A_392 = tpu.memref_slice %arg7[%get3A_384, %dma_start3A_391] : memref<100000x500xf32, #tpu.memory_space<any>> -> memref<1x500xf32, #tpu.memory_space<any>>
          tpu.enqueue_dma source(%dma_start3A_392 : memref<1x500xf32, #tpu.memory_space<any>>) target(%dma_start3A_390 : memref<1x500xf32, #tpu.memory_space<vmem>>) target_semaphore(%arg38 : memref<!tpu.dma_semaphore, #tpu.memory_space<semaphore_mem>>)
          %dma_start3A_393 = arith.constant 0 : i32
          %dma_start3A_394 = arith.constant 0 : i32
          %dma_start3A_395 = tpu.memref_slice %arg37[%dma_start3A_393, %add3A_382, %dma_start3A_394] : memref<2x256x500xf32, #tpu.memory_space<vmem>> -> memref<1x1x500xf32, #tpu.memory_space<vmem>>
          %dma_start3A_396 = tpu.memref_squeeze %dma_start3A_395 : memref<1x1x500xf32, #tpu.memory_space<vmem>> -> memref<1x500xf32, #tpu.memory_space<vmem>>
          %dma_start3A_397 = arith.constant 0 : i32
          %dma_start3A_398 = tpu.memref_slice %arg8[%get3A_384, %dma_start3A_397] : memref<100000x500xf32, #tpu.memory_space<any>> -> memref<1x500xf32, #tpu.memory_space<any>>
          tpu.enqueue_dma source(%dma_start3A_398 : memref<1x500xf32, #tpu.memory_space<any>>) target(%dma_start3A_396 : memref<1x500xf32, #tpu.memory_space<vmem>>) target_semaphore(%arg38 : memref<!tpu.dma_semaphore, #tpu.memory_space<semaphore_mem>>)
          %dma_start3A_399 = arith.constant 0 : i32
          %dma_start3A_400 = arith.constant 0 : i32
          %dma_start3A_401 = tpu.memref_slice %arg36[%dma_start3A_399, %add3A_382, %dma_start3A_400] : memref<2x256x500xf32, #tpu.memory_space<vmem>> -> memref<1x1x500xf32, #tpu.memory_space<vmem>>
          %dma_start3A_402 = tpu.memref_squeeze %dma_start3A_401 : memref<1x1x500xf32, #tpu.memory_space<vmem>> -> memref<1x500xf32, #tpu.memory_space<vmem>>
          %dma_start3A_403 = arith.constant 0 : i32
          %dma_start3A_404 = tpu.memref_slice %arg7[%get3A_386, %dma_start3A_403] : memref<100000x500xf32, #tpu.memory_space<any>> -> memref<1x500xf32, #tpu.memory_space<any>>
          tpu.enqueue_dma source(%dma_start3A_404 : memref<1x500xf32, #tpu.memory_space<any>>) target(%dma_start3A_402 : memref<1x500xf32, #tpu.memory_space<vmem>>) target_semaphore(%arg38 : memref<!tpu.dma_semaphore, #tpu.memory_space<semaphore_mem>>)
          %add3A_405 = arith.constant 5 : i32
          %add3A_406 = arith.addi %add3A_265, %add3A_405 : i32
          %mul3A_407 = arith.constant 8 : i32
          %mul3A_408 = arith.muli %scan3A_260, %mul3A_407 : i32
          %add3A_409 = arith.constant 5 : i32
          %add3A_410 = arith.addi %mul3A_408, %add3A_409 : i32
          %get3A_411 = arith.index_cast %add3A_406 : i32 to index
          %get3A_412 = memref.load %arg1[%get3A_411] : memref<1024xi32, #tpu.memory_space<smem>>
          %get3A_413 = arith.index_cast %add3A_406 : i32 to index
          %get3A_414 = memref.load %arg2[%get3A_413] : memref<1024xi32, #tpu.memory_space<smem>>
          %dma_start3A_415 = arith.constant 0 : i32
          %dma_start3A_416 = arith.constant 0 : i32
          %dma_start3A_417 = tpu.memref_slice %arg35[%dma_start3A_415, %add3A_410, %dma_start3A_416] : memref<2x256x500xf32, #tpu.memory_space<vmem>> -> memref<1x1x500xf32, #tpu.memory_space<vmem>>
          %dma_start3A_418 = tpu.memref_squeeze %dma_start3A_417 : memref<1x1x500xf32, #tpu.memory_space<vmem>> -> memref<1x500xf32, #tpu.memory_space<vmem>>
          %dma_start3A_419 = arith.constant 0 : i32
          %dma_start3A_420 = tpu.memref_slice %arg7[%get3A_412, %dma_start3A_419] : memref<100000x500xf32, #tpu.memory_space<any>> -> memref<1x500xf32, #tpu.memory_space<any>>
          tpu.enqueue_dma source(%dma_start3A_420 : memref<1x500xf32, #tpu.memory_space<any>>) target(%dma_start3A_418 : memref<1x500xf32, #tpu.memory_space<vmem>>) target_semaphore(%arg38 : memref<!tpu.dma_semaphore, #tpu.memory_space<semaphore_mem>>)
          %dma_start3A_421 = arith.constant 0 : i32
          %dma_start3A_422 = arith.constant 0 : i32
          %dma_start3A_423 = tpu.memref_slice %arg37[%dma_start3A_421, %add3A_410, %dma_start3A_422] : memref<2x256x500xf32, #tpu.memory_space<vmem>> -> memref<1x1x500xf32, #tpu.memory_space<vmem>>
          %dma_start3A_424 = tpu.memref_squeeze %dma_start3A_423 : memref<1x1x500xf32, #tpu.memory_space<vmem>> -> memref<1x500xf32, #tpu.memory_space<vmem>>
          %dma_start3A_425 = arith.constant 0 : i32
          %dma_start3A_426 = tpu.memref_slice %arg8[%get3A_412, %dma_start3A_425] : memref<100000x500xf32, #tpu.memory_space<any>> -> memref<1x500xf32, #tpu.memory_space<any>>
          tpu.enqueue_dma source(%dma_start3A_426 : memref<1x500xf32, #tpu.memory_space<any>>) target(%dma_start3A_424 : memref<1x500xf32, #tpu.memory_space<vmem>>) target_semaphore(%arg38 : memref<!tpu.dma_semaphore, #tpu.memory_space<semaphore_mem>>)
          %dma_start3A_427 = arith.constant 0 : i32
          %dma_start3A_428 = arith.constant 0 : i32
          %dma_start3A_429 = tpu.memref_slice %arg36[%dma_start3A_427, %add3A_410, %dma_start3A_428] : memref<2x256x500xf32, #tpu.memory_space<vmem>> -> memref<1x1x500xf32, #tpu.memory_space<vmem>>
          %dma_start3A_430 = tpu.memref_squeeze %dma_start3A_429 : memref<1x1x500xf32, #tpu.memory_space<vmem>> -> memref<1x500xf32, #tpu.memory_space<vmem>>
          %dma_start3A_431 = arith.constant 0 : i32
          %dma_start3A_432 = tpu.memref_slice %arg7[%get3A_414, %dma_start3A_431] : memref<100000x500xf32, #tpu.memory_space<any>> -> memref<1x500xf32, #tpu.memory_space<any>>
          tpu.enqueue_dma source(%dma_start3A_432 : memref<1x500xf32, #tpu.memory_space<any>>) target(%dma_start3A_430 : memref<1x500xf32, #tpu.memory_space<vmem>>) target_semaphore(%arg38 : memref<!tpu.dma_semaphore, #tpu.memory_space<semaphore_mem>>)
          %add3A_433 = arith.constant 6 : i32
          %add3A_434 = arith.addi %add3A_265, %add3A_433 : i32
          %mul3A_435 = arith.constant 8 : i32
          %mul3A_436 = arith.muli %scan3A_260, %mul3A_435 : i32
          %add3A_437 = arith.constant 6 : i32
          %add3A_438 = arith.addi %mul3A_436, %add3A_437 : i32
          %get3A_439 = arith.index_cast %add3A_434 : i32 to index
          %get3A_440 = memref.load %arg1[%get3A_439] : memref<1024xi32, #tpu.memory_space<smem>>
          %get3A_441 = arith.index_cast %add3A_434 : i32 to index
          %get3A_442 = memref.load %arg2[%get3A_441] : memref<1024xi32, #tpu.memory_space<smem>>
          %dma_start3A_443 = arith.constant 0 : i32
          %dma_start3A_444 = arith.constant 0 : i32
          %dma_start3A_445 = tpu.memref_slice %arg35[%dma_start3A_443, %add3A_438, %dma_start3A_444] : memref<2x256x500xf32, #tpu.memory_space<vmem>> -> memref<1x1x500xf32, #tpu.memory_space<vmem>>
          %dma_start3A_446 = tpu.memref_squeeze %dma_start3A_445 : memref<1x1x500xf32, #tpu.memory_space<vmem>> -> memref<1x500xf32, #tpu.memory_space<vmem>>
          %dma_start3A_447 = arith.constant 0 : i32
          %dma_start3A_448 = tpu.memref_slice %arg7[%get3A_440, %dma_start3A_447] : memref<100000x500xf32, #tpu.memory_space<any>> -> memref<1x500xf32, #tpu.memory_space<any>>
          tpu.enqueue_dma source(%dma_start3A_448 : memref<1x500xf32, #tpu.memory_space<any>>) target(%dma_start3A_446 : memref<1x500xf32, #tpu.memory_space<vmem>>) target_semaphore(%arg38 : memref<!tpu.dma_semaphore, #tpu.memory_space<semaphore_mem>>)
          %dma_start3A_449 = arith.constant 0 : i32
          %dma_start3A_450 = arith.constant 0 : i32
          %dma_start3A_451 = tpu.memref_slice %arg37[%dma_start3A_449, %add3A_438, %dma_start3A_450] : memref<2x256x500xf32, #tpu.memory_space<vmem>> -> memref<1x1x500xf32, #tpu.memory_space<vmem>>
          %dma_start3A_452 = tpu.memref_squeeze %dma_start3A_451 : memref<1x1x500xf32, #tpu.memory_space<vmem>> -> memref<1x500xf32, #tpu.memory_space<vmem>>
          %dma_start3A_453 = arith.constant 0 : i32
          %dma_start3A_454 = tpu.memref_slice %arg8[%get3A_440, %dma_start3A_453] : memref<100000x500xf32, #tpu.memory_space<any>> -> memref<1x500xf32, #tpu.memory_space<any>>
          tpu.enqueue_dma source(%dma_start3A_454 : memref<1x500xf32, #tpu.memory_space<any>>) target(%dma_start3A_452 : memref<1x500xf32, #tpu.memory_space<vmem>>) target_semaphore(%arg38 : memref<!tpu.dma_semaphore, #tpu.memory_space<semaphore_mem>>)
          %dma_start3A_455 = arith.constant 0 : i32
          %dma_start3A_456 = arith.constant 0 : i32
          %dma_start3A_457 = tpu.memref_slice %arg36[%dma_start3A_455, %add3A_438, %dma_start3A_456] : memref<2x256x500xf32, #tpu.memory_space<vmem>> -> memref<1x1x500xf32, #tpu.memory_space<vmem>>
          %dma_start3A_458 = tpu.memref_squeeze %dma_start3A_457 : memref<1x1x500xf32, #tpu.memory_space<vmem>> -> memref<1x500xf32, #tpu.memory_space<vmem>>
          %dma_start3A_459 = arith.constant 0 : i32
          %dma_start3A_460 = tpu.memref_slice %arg7[%get3A_442, %dma_start3A_459] : memref<100000x500xf32, #tpu.memory_space<any>> -> memref<1x500xf32, #tpu.memory_space<any>>
          tpu.enqueue_dma source(%dma_start3A_460 : memref<1x500xf32, #tpu.memory_space<any>>) target(%dma_start3A_458 : memref<1x500xf32, #tpu.memory_space<vmem>>) target_semaphore(%arg38 : memref<!tpu.dma_semaphore, #tpu.memory_space<semaphore_mem>>)
          %add3A_461 = arith.constant 7 : i32
          %add3A_462 = arith.addi %add3A_265, %add3A_461 : i32
          %mul3A_463 = arith.constant 8 : i32
          %mul3A_464 = arith.muli %scan3A_260, %mul3A_463 : i32
          %add3A_465 = arith.constant 7 : i32
          %add3A_466 = arith.addi %mul3A_464, %add3A_465 : i32
          %get3A_467 = arith.index_cast %add3A_462 : i32 to index
          %get3A_468 = memref.load %arg1[%get3A_467] : memref<1024xi32, #tpu.memory_space<smem>>
          %get3A_469 = arith.index_cast %add3A_462 : i32 to index
          %get3A_470 = memref.load %arg2[%get3A_469] : memref<1024xi32, #tpu.memory_space<smem>>
          %dma_start3A_471 = arith.constant 0 : i32
          %dma_start3A_472 = arith.constant 0 : i32
          %dma_start3A_473 = tpu.memref_slice %arg35[%dma_start3A_471, %add3A_466, %dma_start3A_472] : memref<2x256x500xf32, #tpu.memory_space<vmem>> -> memref<1x1x500xf32, #tpu.memory_space<vmem>>
          %dma_start3A_474 = tpu.memref_squeeze %dma_start3A_473 : memref<1x1x500xf32, #tpu.memory_space<vmem>> -> memref<1x500xf32, #tpu.memory_space<vmem>>
          %dma_start3A_475 = arith.constant 0 : i32
          %dma_start3A_476 = tpu.memref_slice %arg7[%get3A_468, %dma_start3A_475] : memref<100000x500xf32, #tpu.memory_space<any>> -> memref<1x500xf32, #tpu.memory_space<any>>
          tpu.enqueue_dma source(%dma_start3A_476 : memref<1x500xf32, #tpu.memory_space<any>>) target(%dma_start3A_474 : memref<1x500xf32, #tpu.memory_space<vmem>>) target_semaphore(%arg38 : memref<!tpu.dma_semaphore, #tpu.memory_space<semaphore_mem>>)
          %dma_start3A_477 = arith.constant 0 : i32
          %dma_start3A_478 = arith.constant 0 : i32
          %dma_start3A_479 = tpu.memref_slice %arg37[%dma_start3A_477, %add3A_466, %dma_start3A_478] : memref<2x256x500xf32, #tpu.memory_space<vmem>> -> memref<1x1x500xf32, #tpu.memory_space<vmem>>
          %dma_start3A_480 = tpu.memref_squeeze %dma_start3A_479 : memref<1x1x500xf32, #tpu.memory_space<vmem>> -> memref<1x500xf32, #tpu.memory_space<vmem>>
          %dma_start3A_481 = arith.constant 0 : i32
          %dma_start3A_482 = tpu.memref_slice %arg8[%get3A_468, %dma_start3A_481] : memref<100000x500xf32, #tpu.memory_space<any>> -> memref<1x500xf32, #tpu.memory_space<any>>
          tpu.enqueue_dma source(%dma_start3A_482 : memref<1x500xf32, #tpu.memory_space<any>>) target(%dma_start3A_480 : memref<1x500xf32, #tpu.memory_space<vmem>>) target_semaphore(%arg38 : memref<!tpu.dma_semaphore, #tpu.memory_space<semaphore_mem>>)
          %dma_start3A_483 = arith.constant 0 : i32
          %dma_start3A_484 = arith.constant 0 : i32
          %dma_start3A_485 = tpu.memref_slice %arg36[%dma_start3A_483, %add3A_466, %dma_start3A_484] : memref<2x256x500xf32, #tpu.memory_space<vmem>> -> memref<1x1x500xf32, #tpu.memory_space<vmem>>
          %dma_start3A_486 = tpu.memref_squeeze %dma_start3A_485 : memref<1x1x500xf32, #tpu.memory_space<vmem>> -> memref<1x500xf32, #tpu.memory_space<vmem>>
          %dma_start3A_487 = arith.constant 0 : i32
          %dma_start3A_488 = tpu.memref_slice %arg7[%get3A_470, %dma_start3A_487] : memref<100000x500xf32, #tpu.memory_space<any>> -> memref<1x500xf32, #tpu.memory_space<any>>
          tpu.enqueue_dma source(%dma_start3A_488 : memref<1x500xf32, #tpu.memory_space<any>>) target(%dma_start3A_486 : memref<1x500xf32, #tpu.memory_space<vmem>>) target_semaphore(%arg38 : memref<!tpu.dma_semaphore, #tpu.memory_space<semaphore_mem>>)
        }
        %scan3A_259 = arith.constant 32 : i32
      } else {
      }
      %rem3A_249 = arith.constant 2 : i32
      %rem3A_250 = arith.remsi %add3A_241, %rem3A_249 : i32
      %eq3A_251 = arith.constant 1 : i32
      %eq3A_252 = arith.cmpi eq, %rem3A_250, %eq3A_251 : i32
      %convert_element_type3A_253 = arith.extui %eq3A_252 : i1 to i32
      %cond3A_254 = arith.constant 0 : i32
      %cond3A_255 = arith.cmpi ne, %convert_element_type3A_253, %cond3A_254 : i32
      scf.if %cond3A_255 {
        %scan3A = arith.constant 0 : i32
        %scan3A_256 = arith.constant 32 : i32
        %scan3A_257 = arith.addi %scan3A, %scan3A_256 : i32
        %scan3A_258 = arith.constant 1 : i32
        scf.for %scan3A_260 = %scan3A to %scan3A_257 step %scan3A_258  : i32 {
          %mul3A_261 = arith.constant 256 : i32
          %mul3A_262 = arith.muli %add3A_241, %mul3A_261 : i32
          %mul3A_263 = arith.constant 8 : i32
          %mul3A_264 = arith.muli %scan3A_260, %mul3A_263 : i32
          %add3A_265 = arith.addi %mul3A_262, %mul3A_264 : i32
          %add3A_266 = arith.constant 0 : i32
          %add3A_267 = arith.addi %add3A_265, %add3A_266 : i32
          %mul3A_268 = arith.constant 8 : i32
          %mul3A_269 = arith.muli %scan3A_260, %mul3A_268 : i32
          %add3A_270 = arith.constant 0 : i32
          %add3A_271 = arith.addi %mul3A_269, %add3A_270 : i32
          %get3A_272 = arith.index_cast %add3A_267 : i32 to index
          %get3A_273 = memref.load %arg1[%get3A_272] : memref<1024xi32, #tpu.memory_space<smem>>
          %get3A_274 = arith.index_cast %add3A_267 : i32 to index
          %get3A_275 = memref.load %arg2[%get3A_274] : memref<1024xi32, #tpu.memory_space<smem>>
          %dma_start3A = arith.constant 1 : i32
          %dma_start3A_276 = arith.constant 0 : i32
          %dma_start3A_277 = tpu.memref_slice %arg35[%dma_start3A, %add3A_271, %dma_start3A_276] : memref<2x256x500xf32, #tpu.memory_space<vmem>> -> memref<1x1x500xf32, #tpu.memory_space<vmem>>
          %dma_start3A_278 = tpu.memref_squeeze %dma_start3A_277 : memref<1x1x500xf32, #tpu.memory_space<vmem>> -> memref<1x500xf32, #tpu.memory_space<vmem>>
          %dma_start3A_279 = arith.constant 0 : i32
          %dma_start3A_280 = tpu.memref_slice %arg7[%get3A_273, %dma_start3A_279] : memref<100000x500xf32, #tpu.memory_space<any>> -> memref<1x500xf32, #tpu.memory_space<any>>
          tpu.enqueue_dma source(%dma_start3A_280 : memref<1x500xf32, #tpu.memory_space<any>>) target(%dma_start3A_278 : memref<1x500xf32, #tpu.memory_space<vmem>>) target_semaphore(%arg39 : memref<!tpu.dma_semaphore, #tpu.memory_space<semaphore_mem>>)
          %dma_start3A_281 = arith.constant 1 : i32
          %dma_start3A_282 = arith.constant 0 : i32
          %dma_start3A_283 = tpu.memref_slice %arg37[%dma_start3A_281, %add3A_271, %dma_start3A_282] : memref<2x256x500xf32, #tpu.memory_space<vmem>> -> memref<1x1x500xf32, #tpu.memory_space<vmem>>
          %dma_start3A_284 = tpu.memref_squeeze %dma_start3A_283 : memref<1x1x500xf32, #tpu.memory_space<vmem>> -> memref<1x500xf32, #tpu.memory_space<vmem>>
          %dma_start3A_285 = arith.constant 0 : i32
          %dma_start3A_286 = tpu.memref_slice %arg8[%get3A_273, %dma_start3A_285] : memref<100000x500xf32, #tpu.memory_space<any>> -> memref<1x500xf32, #tpu.memory_space<any>>
          tpu.enqueue_dma source(%dma_start3A_286 : memref<1x500xf32, #tpu.memory_space<any>>) target(%dma_start3A_284 : memref<1x500xf32, #tpu.memory_space<vmem>>) target_semaphore(%arg39 : memref<!tpu.dma_semaphore, #tpu.memory_space<semaphore_mem>>)
          %dma_start3A_287 = arith.constant 1 : i32
          %dma_start3A_288 = arith.constant 0 : i32
          %dma_start3A_289 = tpu.memref_slice %arg36[%dma_start3A_287, %add3A_271, %dma_start3A_288] : memref<2x256x500xf32, #tpu.memory_space<vmem>> -> memref<1x1x500xf32, #tpu.memory_space<vmem>>
          %dma_start3A_290 = tpu.memref_squeeze %dma_start3A_289 : memref<1x1x500xf32, #tpu.memory_space<vmem>> -> memref<1x500xf32, #tpu.memory_space<vmem>>
          %dma_start3A_291 = arith.constant 0 : i32
          %dma_start3A_292 = tpu.memref_slice %arg7[%get3A_275, %dma_start3A_291] : memref<100000x500xf32, #tpu.memory_space<any>> -> memref<1x500xf32, #tpu.memory_space<any>>
          tpu.enqueue_dma source(%dma_start3A_292 : memref<1x500xf32, #tpu.memory_space<any>>) target(%dma_start3A_290 : memref<1x500xf32, #tpu.memory_space<vmem>>) target_semaphore(%arg39 : memref<!tpu.dma_semaphore, #tpu.memory_space<semaphore_mem>>)
          %add3A_293 = arith.constant 1 : i32
          %add3A_294 = arith.addi %add3A_265, %add3A_293 : i32
          %mul3A_295 = arith.constant 8 : i32
          %mul3A_296 = arith.muli %scan3A_260, %mul3A_295 : i32
          %add3A_297 = arith.constant 1 : i32
          %add3A_298 = arith.addi %mul3A_296, %add3A_297 : i32
          %get3A_299 = arith.index_cast %add3A_294 : i32 to index
          %get3A_300 = memref.load %arg1[%get3A_299] : memref<1024xi32, #tpu.memory_space<smem>>
          %get3A_301 = arith.index_cast %add3A_294 : i32 to index
          %get3A_302 = memref.load %arg2[%get3A_301] : memref<1024xi32, #tpu.memory_space<smem>>
          %dma_start3A_303 = arith.constant 1 : i32
          %dma_start3A_304 = arith.constant 0 : i32
          %dma_start3A_305 = tpu.memref_slice %arg35[%dma_start3A_303, %add3A_298, %dma_start3A_304] : memref<2x256x500xf32, #tpu.memory_space<vmem>> -> memref<1x1x500xf32, #tpu.memory_space<vmem>>
          %dma_start3A_306 = tpu.memref_squeeze %dma_start3A_305 : memref<1x1x500xf32, #tpu.memory_space<vmem>> -> memref<1x500xf32, #tpu.memory_space<vmem>>
          %dma_start3A_307 = arith.constant 0 : i32
          %dma_start3A_308 = tpu.memref_slice %arg7[%get3A_300, %dma_start3A_307] : memref<100000x500xf32, #tpu.memory_space<any>> -> memref<1x500xf32, #tpu.memory_space<any>>
          tpu.enqueue_dma source(%dma_start3A_308 : memref<1x500xf32, #tpu.memory_space<any>>) target(%dma_start3A_306 : memref<1x500xf32, #tpu.memory_space<vmem>>) target_semaphore(%arg39 : memref<!tpu.dma_semaphore, #tpu.memory_space<semaphore_mem>>)
          %dma_start3A_309 = arith.constant 1 : i32
          %dma_start3A_310 = arith.constant 0 : i32
          %dma_start3A_311 = tpu.memref_slice %arg37[%dma_start3A_309, %add3A_298, %dma_start3A_310] : memref<2x256x500xf32, #tpu.memory_space<vmem>> -> memref<1x1x500xf32, #tpu.memory_space<vmem>>
          %dma_start3A_312 = tpu.memref_squeeze %dma_start3A_311 : memref<1x1x500xf32, #tpu.memory_space<vmem>> -> memref<1x500xf32, #tpu.memory_space<vmem>>
          %dma_start3A_313 = arith.constant 0 : i32
          %dma_start3A_314 = tpu.memref_slice %arg8[%get3A_300, %dma_start3A_313] : memref<100000x500xf32, #tpu.memory_space<any>> -> memref<1x500xf32, #tpu.memory_space<any>>
          tpu.enqueue_dma source(%dma_start3A_314 : memref<1x500xf32, #tpu.memory_space<any>>) target(%dma_start3A_312 : memref<1x500xf32, #tpu.memory_space<vmem>>) target_semaphore(%arg39 : memref<!tpu.dma_semaphore, #tpu.memory_space<semaphore_mem>>)
          %dma_start3A_315 = arith.constant 1 : i32
          %dma_start3A_316 = arith.constant 0 : i32
          %dma_start3A_317 = tpu.memref_slice %arg36[%dma_start3A_315, %add3A_298, %dma_start3A_316] : memref<2x256x500xf32, #tpu.memory_space<vmem>> -> memref<1x1x500xf32, #tpu.memory_space<vmem>>
          %dma_start3A_318 = tpu.memref_squeeze %dma_start3A_317 : memref<1x1x500xf32, #tpu.memory_space<vmem>> -> memref<1x500xf32, #tpu.memory_space<vmem>>
          %dma_start3A_319 = arith.constant 0 : i32
          %dma_start3A_320 = tpu.memref_slice %arg7[%get3A_302, %dma_start3A_319] : memref<100000x500xf32, #tpu.memory_space<any>> -> memref<1x500xf32, #tpu.memory_space<any>>
          tpu.enqueue_dma source(%dma_start3A_320 : memref<1x500xf32, #tpu.memory_space<any>>) target(%dma_start3A_318 : memref<1x500xf32, #tpu.memory_space<vmem>>) target_semaphore(%arg39 : memref<!tpu.dma_semaphore, #tpu.memory_space<semaphore_mem>>)
          %add3A_321 = arith.constant 2 : i32
          %add3A_322 = arith.addi %add3A_265, %add3A_321 : i32
          %mul3A_323 = arith.constant 8 : i32
          %mul3A_324 = arith.muli %scan3A_260, %mul3A_323 : i32
          %add3A_325 = arith.constant 2 : i32
          %add3A_326 = arith.addi %mul3A_324, %add3A_325 : i32
          %get3A_327 = arith.index_cast %add3A_322 : i32 to index
          %get3A_328 = memref.load %arg1[%get3A_327] : memref<1024xi32, #tpu.memory_space<smem>>
          %get3A_329 = arith.index_cast %add3A_322 : i32 to index
          %get3A_330 = memref.load %arg2[%get3A_329] : memref<1024xi32, #tpu.memory_space<smem>>
          %dma_start3A_331 = arith.constant 1 : i32
          %dma_start3A_332 = arith.constant 0 : i32
          %dma_start3A_333 = tpu.memref_slice %arg35[%dma_start3A_331, %add3A_326, %dma_start3A_332] : memref<2x256x500xf32, #tpu.memory_space<vmem>> -> memref<1x1x500xf32, #tpu.memory_space<vmem>>
          %dma_start3A_334 = tpu.memref_squeeze %dma_start3A_333 : memref<1x1x500xf32, #tpu.memory_space<vmem>> -> memref<1x500xf32, #tpu.memory_space<vmem>>
          %dma_start3A_335 = arith.constant 0 : i32
          %dma_start3A_336 = tpu.memref_slice %arg7[%get3A_328, %dma_start3A_335] : memref<100000x500xf32, #tpu.memory_space<any>> -> memref<1x500xf32, #tpu.memory_space<any>>
          tpu.enqueue_dma source(%dma_start3A_336 : memref<1x500xf32, #tpu.memory_space<any>>) target(%dma_start3A_334 : memref<1x500xf32, #tpu.memory_space<vmem>>) target_semaphore(%arg39 : memref<!tpu.dma_semaphore, #tpu.memory_space<semaphore_mem>>)
          %dma_start3A_337 = arith.constant 1 : i32
          %dma_start3A_338 = arith.constant 0 : i32
          %dma_start3A_339 = tpu.memref_slice %arg37[%dma_start3A_337, %add3A_326, %dma_start3A_338] : memref<2x256x500xf32, #tpu.memory_space<vmem>> -> memref<1x1x500xf32, #tpu.memory_space<vmem>>
          %dma_start3A_340 = tpu.memref_squeeze %dma_start3A_339 : memref<1x1x500xf32, #tpu.memory_space<vmem>> -> memref<1x500xf32, #tpu.memory_space<vmem>>
          %dma_start3A_341 = arith.constant 0 : i32
          %dma_start3A_342 = tpu.memref_slice %arg8[%get3A_328, %dma_start3A_341] : memref<100000x500xf32, #tpu.memory_space<any>> -> memref<1x500xf32, #tpu.memory_space<any>>
          tpu.enqueue_dma source(%dma_start3A_342 : memref<1x500xf32, #tpu.memory_space<any>>) target(%dma_start3A_340 : memref<1x500xf32, #tpu.memory_space<vmem>>) target_semaphore(%arg39 : memref<!tpu.dma_semaphore, #tpu.memory_space<semaphore_mem>>)
          %dma_start3A_343 = arith.constant 1 : i32
          %dma_start3A_344 = arith.constant 0 : i32
          %dma_start3A_345 = tpu.memref_slice %arg36[%dma_start3A_343, %add3A_326, %dma_start3A_344] : memref<2x256x500xf32, #tpu.memory_space<vmem>> -> memref<1x1x500xf32, #tpu.memory_space<vmem>>
          %dma_start3A_346 = tpu.memref_squeeze %dma_start3A_345 : memref<1x1x500xf32, #tpu.memory_space<vmem>> -> memref<1x500xf32, #tpu.memory_space<vmem>>
          %dma_start3A_347 = arith.constant 0 : i32
          %dma_start3A_348 = tpu.memref_slice %arg7[%get3A_330, %dma_start3A_347] : memref<100000x500xf32, #tpu.memory_space<any>> -> memref<1x500xf32, #tpu.memory_space<any>>
          tpu.enqueue_dma source(%dma_start3A_348 : memref<1x500xf32, #tpu.memory_space<any>>) target(%dma_start3A_346 : memref<1x500xf32, #tpu.memory_space<vmem>>) target_semaphore(%arg39 : memref<!tpu.dma_semaphore, #tpu.memory_space<semaphore_mem>>)
          %add3A_349 = arith.constant 3 : i32
          %add3A_350 = arith.addi %add3A_265, %add3A_349 : i32
          %mul3A_351 = arith.constant 8 : i32
          %mul3A_352 = arith.muli %scan3A_260, %mul3A_351 : i32
          %add3A_353 = arith.constant 3 : i32
          %add3A_354 = arith.addi %mul3A_352, %add3A_353 : i32
          %get3A_355 = arith.index_cast %add3A_350 : i32 to index
          %get3A_356 = memref.load %arg1[%get3A_355] : memref<1024xi32, #tpu.memory_space<smem>>
          %get3A_357 = arith.index_cast %add3A_350 : i32 to index
          %get3A_358 = memref.load %arg2[%get3A_357] : memref<1024xi32, #tpu.memory_space<smem>>
          %dma_start3A_359 = arith.constant 1 : i32
          %dma_start3A_360 = arith.constant 0 : i32
          %dma_start3A_361 = tpu.memref_slice %arg35[%dma_start3A_359, %add3A_354, %dma_start3A_360] : memref<2x256x500xf32, #tpu.memory_space<vmem>> -> memref<1x1x500xf32, #tpu.memory_space<vmem>>
          %dma_start3A_362 = tpu.memref_squeeze %dma_start3A_361 : memref<1x1x500xf32, #tpu.memory_space<vmem>> -> memref<1x500xf32, #tpu.memory_space<vmem>>
          %dma_start3A_363 = arith.constant 0 : i32
          %dma_start3A_364 = tpu.memref_slice %arg7[%get3A_356, %dma_start3A_363] : memref<100000x500xf32, #tpu.memory_space<any>> -> memref<1x500xf32, #tpu.memory_space<any>>
          tpu.enqueue_dma source(%dma_start3A_364 : memref<1x500xf32, #tpu.memory_space<any>>) target(%dma_start3A_362 : memref<1x500xf32, #tpu.memory_space<vmem>>) target_semaphore(%arg39 : memref<!tpu.dma_semaphore, #tpu.memory_space<semaphore_mem>>)
          %dma_start3A_365 = arith.constant 1 : i32
          %dma_start3A_366 = arith.constant 0 : i32
          %dma_start3A_367 = tpu.memref_slice %arg37[%dma_start3A_365, %add3A_354, %dma_start3A_366] : memref<2x256x500xf32, #tpu.memory_space<vmem>> -> memref<1x1x500xf32, #tpu.memory_space<vmem>>
          %dma_start3A_368 = tpu.memref_squeeze %dma_start3A_367 : memref<1x1x500xf32, #tpu.memory_space<vmem>> -> memref<1x500xf32, #tpu.memory_space<vmem>>
          %dma_start3A_369 = arith.constant 0 : i32
          %dma_start3A_370 = tpu.memref_slice %arg8[%get3A_356, %dma_start3A_369] : memref<100000x500xf32, #tpu.memory_space<any>> -> memref<1x500xf32, #tpu.memory_space<any>>
          tpu.enqueue_dma source(%dma_start3A_370 : memref<1x500xf32, #tpu.memory_space<any>>) target(%dma_start3A_368 : memref<1x500xf32, #tpu.memory_space<vmem>>) target_semaphore(%arg39 : memref<!tpu.dma_semaphore, #tpu.memory_space<semaphore_mem>>)
          %dma_start3A_371 = arith.constant 1 : i32
          %dma_start3A_372 = arith.constant 0 : i32
          %dma_start3A_373 = tpu.memref_slice %arg36[%dma_start3A_371, %add3A_354, %dma_start3A_372] : memref<2x256x500xf32, #tpu.memory_space<vmem>> -> memref<1x1x500xf32, #tpu.memory_space<vmem>>
          %dma_start3A_374 = tpu.memref_squeeze %dma_start3A_373 : memref<1x1x500xf32, #tpu.memory_space<vmem>> -> memref<1x500xf32, #tpu.memory_space<vmem>>
          %dma_start3A_375 = arith.constant 0 : i32
          %dma_start3A_376 = tpu.memref_slice %arg7[%get3A_358, %dma_start3A_375] : memref<100000x500xf32, #tpu.memory_space<any>> -> memref<1x500xf32, #tpu.memory_space<any>>
          tpu.enqueue_dma source(%dma_start3A_376 : memref<1x500xf32, #tpu.memory_space<any>>) target(%dma_start3A_374 : memref<1x500xf32, #tpu.memory_space<vmem>>) target_semaphore(%arg39 : memref<!tpu.dma_semaphore, #tpu.memory_space<semaphore_mem>>)
          %add3A_377 = arith.constant 4 : i32
          %add3A_378 = arith.addi %add3A_265, %add3A_377 : i32
          %mul3A_379 = arith.constant 8 : i32
          %mul3A_380 = arith.muli %scan3A_260, %mul3A_379 : i32
          %add3A_381 = arith.constant 4 : i32
          %add3A_382 = arith.addi %mul3A_380, %add3A_381 : i32
          %get3A_383 = arith.index_cast %add3A_378 : i32 to index
          %get3A_384 = memref.load %arg1[%get3A_383] : memref<1024xi32, #tpu.memory_space<smem>>
          %get3A_385 = arith.index_cast %add3A_378 : i32 to index
          %get3A_386 = memref.load %arg2[%get3A_385] : memref<1024xi32, #tpu.memory_space<smem>>
          %dma_start3A_387 = arith.constant 1 : i32
          %dma_start3A_388 = arith.constant 0 : i32
          %dma_start3A_389 = tpu.memref_slice %arg35[%dma_start3A_387, %add3A_382, %dma_start3A_388] : memref<2x256x500xf32, #tpu.memory_space<vmem>> -> memref<1x1x500xf32, #tpu.memory_space<vmem>>
          %dma_start3A_390 = tpu.memref_squeeze %dma_start3A_389 : memref<1x1x500xf32, #tpu.memory_space<vmem>> -> memref<1x500xf32, #tpu.memory_space<vmem>>
          %dma_start3A_391 = arith.constant 0 : i32
          %dma_start3A_392 = tpu.memref_slice %arg7[%get3A_384, %dma_start3A_391] : memref<100000x500xf32, #tpu.memory_space<any>> -> memref<1x500xf32, #tpu.memory_space<any>>
          tpu.enqueue_dma source(%dma_start3A_392 : memref<1x500xf32, #tpu.memory_space<any>>) target(%dma_start3A_390 : memref<1x500xf32, #tpu.memory_space<vmem>>) target_semaphore(%arg39 : memref<!tpu.dma_semaphore, #tpu.memory_space<semaphore_mem>>)
          %dma_start3A_393 = arith.constant 1 : i32
          %dma_start3A_394 = arith.constant 0 : i32
          %dma_start3A_395 = tpu.memref_slice %arg37[%dma_start3A_393, %add3A_382, %dma_start3A_394] : memref<2x256x500xf32, #tpu.memory_space<vmem>> -> memref<1x1x500xf32, #tpu.memory_space<vmem>>
          %dma_start3A_396 = tpu.memref_squeeze %dma_start3A_395 : memref<1x1x500xf32, #tpu.memory_space<vmem>> -> memref<1x500xf32, #tpu.memory_space<vmem>>
          %dma_start3A_397 = arith.constant 0 : i32
          %dma_start3A_398 = tpu.memref_slice %arg8[%get3A_384, %dma_start3A_397] : memref<100000x500xf32, #tpu.memory_space<any>> -> memref<1x500xf32, #tpu.memory_space<any>>
          tpu.enqueue_dma source(%dma_start3A_398 : memref<1x500xf32, #tpu.memory_space<any>>) target(%dma_start3A_396 : memref<1x500xf32, #tpu.memory_space<vmem>>) target_semaphore(%arg39 : memref<!tpu.dma_semaphore, #tpu.memory_space<semaphore_mem>>)
          %dma_start3A_399 = arith.constant 1 : i32
          %dma_start3A_400 = arith.constant 0 : i32
          %dma_start3A_401 = tpu.memref_slice %arg36[%dma_start3A_399, %add3A_382, %dma_start3A_400] : memref<2x256x500xf32, #tpu.memory_space<vmem>> -> memref<1x1x500xf32, #tpu.memory_space<vmem>>
          %dma_start3A_402 = tpu.memref_squeeze %dma_start3A_401 : memref<1x1x500xf32, #tpu.memory_space<vmem>> -> memref<1x500xf32, #tpu.memory_space<vmem>>
          %dma_start3A_403 = arith.constant 0 : i32
          %dma_start3A_404 = tpu.memref_slice %arg7[%get3A_386, %dma_start3A_403] : memref<100000x500xf32, #tpu.memory_space<any>> -> memref<1x500xf32, #tpu.memory_space<any>>
          tpu.enqueue_dma source(%dma_start3A_404 : memref<1x500xf32, #tpu.memory_space<any>>) target(%dma_start3A_402 : memref<1x500xf32, #tpu.memory_space<vmem>>) target_semaphore(%arg39 : memref<!tpu.dma_semaphore, #tpu.memory_space<semaphore_mem>>)
          %add3A_405 = arith.constant 5 : i32
          %add3A_406 = arith.addi %add3A_265, %add3A_405 : i32
          %mul3A_407 = arith.constant 8 : i32
          %mul3A_408 = arith.muli %scan3A_260, %mul3A_407 : i32
          %add3A_409 = arith.constant 5 : i32
          %add3A_410 = arith.addi %mul3A_408, %add3A_409 : i32
          %get3A_411 = arith.index_cast %add3A_406 : i32 to index
          %get3A_412 = memref.load %arg1[%get3A_411] : memref<1024xi32, #tpu.memory_space<smem>>
          %get3A_413 = arith.index_cast %add3A_406 : i32 to index
          %get3A_414 = memref.load %arg2[%get3A_413] : memref<1024xi32, #tpu.memory_space<smem>>
          %dma_start3A_415 = arith.constant 1 : i32
          %dma_start3A_416 = arith.constant 0 : i32
          %dma_start3A_417 = tpu.memref_slice %arg35[%dma_start3A_415, %add3A_410, %dma_start3A_416] : memref<2x256x500xf32, #tpu.memory_space<vmem>> -> memref<1x1x500xf32, #tpu.memory_space<vmem>>
          %dma_start3A_418 = tpu.memref_squeeze %dma_start3A_417 : memref<1x1x500xf32, #tpu.memory_space<vmem>> -> memref<1x500xf32, #tpu.memory_space<vmem>>
          %dma_start3A_419 = arith.constant 0 : i32
          %dma_start3A_420 = tpu.memref_slice %arg7[%get3A_412, %dma_start3A_419] : memref<100000x500xf32, #tpu.memory_space<any>> -> memref<1x500xf32, #tpu.memory_space<any>>
          tpu.enqueue_dma source(%dma_start3A_420 : memref<1x500xf32, #tpu.memory_space<any>>) target(%dma_start3A_418 : memref<1x500xf32, #tpu.memory_space<vmem>>) target_semaphore(%arg39 : memref<!tpu.dma_semaphore, #tpu.memory_space<semaphore_mem>>)
          %dma_start3A_421 = arith.constant 1 : i32
          %dma_start3A_422 = arith.constant 0 : i32
          %dma_start3A_423 = tpu.memref_slice %arg37[%dma_start3A_421, %add3A_410, %dma_start3A_422] : memref<2x256x500xf32, #tpu.memory_space<vmem>> -> memref<1x1x500xf32, #tpu.memory_space<vmem>>
          %dma_start3A_424 = tpu.memref_squeeze %dma_start3A_423 : memref<1x1x500xf32, #tpu.memory_space<vmem>> -> memref<1x500xf32, #tpu.memory_space<vmem>>
          %dma_start3A_425 = arith.constant 0 : i32
          %dma_start3A_426 = tpu.memref_slice %arg8[%get3A_412, %dma_start3A_425] : memref<100000x500xf32, #tpu.memory_space<any>> -> memref<1x500xf32, #tpu.memory_space<any>>
          tpu.enqueue_dma source(%dma_start3A_426 : memref<1x500xf32, #tpu.memory_space<any>>) target(%dma_start3A_424 : memref<1x500xf32, #tpu.memory_space<vmem>>) target_semaphore(%arg39 : memref<!tpu.dma_semaphore, #tpu.memory_space<semaphore_mem>>)
          %dma_start3A_427 = arith.constant 1 : i32
          %dma_start3A_428 = arith.constant 0 : i32
          %dma_start3A_429 = tpu.memref_slice %arg36[%dma_start3A_427, %add3A_410, %dma_start3A_428] : memref<2x256x500xf32, #tpu.memory_space<vmem>> -> memref<1x1x500xf32, #tpu.memory_space<vmem>>
          %dma_start3A_430 = tpu.memref_squeeze %dma_start3A_429 : memref<1x1x500xf32, #tpu.memory_space<vmem>> -> memref<1x500xf32, #tpu.memory_space<vmem>>
          %dma_start3A_431 = arith.constant 0 : i32
          %dma_start3A_432 = tpu.memref_slice %arg7[%get3A_414, %dma_start3A_431] : memref<100000x500xf32, #tpu.memory_space<any>> -> memref<1x500xf32, #tpu.memory_space<any>>
          tpu.enqueue_dma source(%dma_start3A_432 : memref<1x500xf32, #tpu.memory_space<any>>) target(%dma_start3A_430 : memref<1x500xf32, #tpu.memory_space<vmem>>) target_semaphore(%arg39 : memref<!tpu.dma_semaphore, #tpu.memory_space<semaphore_mem>>)
          %add3A_433 = arith.constant 6 : i32
          %add3A_434 = arith.addi %add3A_265, %add3A_433 : i32
          %mul3A_435 = arith.constant 8 : i32
          %mul3A_436 = arith.muli %scan3A_260, %mul3A_435 : i32
          %add3A_437 = arith.constant 6 : i32
          %add3A_438 = arith.addi %mul3A_436, %add3A_437 : i32
          %get3A_439 = arith.index_cast %add3A_434 : i32 to index
          %get3A_440 = memref.load %arg1[%get3A_439] : memref<1024xi32, #tpu.memory_space<smem>>
          %get3A_441 = arith.index_cast %add3A_434 : i32 to index
          %get3A_442 = memref.load %arg2[%get3A_441] : memref<1024xi32, #tpu.memory_space<smem>>
          %dma_start3A_443 = arith.constant 1 : i32
          %dma_start3A_444 = arith.constant 0 : i32
          %dma_start3A_445 = tpu.memref_slice %arg35[%dma_start3A_443, %add3A_438, %dma_start3A_444] : memref<2x256x500xf32, #tpu.memory_space<vmem>> -> memref<1x1x500xf32, #tpu.memory_space<vmem>>
          %dma_start3A_446 = tpu.memref_squeeze %dma_start3A_445 : memref<1x1x500xf32, #tpu.memory_space<vmem>> -> memref<1x500xf32, #tpu.memory_space<vmem>>
          %dma_start3A_447 = arith.constant 0 : i32
          %dma_start3A_448 = tpu.memref_slice %arg7[%get3A_440, %dma_start3A_447] : memref<100000x500xf32, #tpu.memory_space<any>> -> memref<1x500xf32, #tpu.memory_space<any>>
          tpu.enqueue_dma source(%dma_start3A_448 : memref<1x500xf32, #tpu.memory_space<any>>) target(%dma_start3A_446 : memref<1x500xf32, #tpu.memory_space<vmem>>) target_semaphore(%arg39 : memref<!tpu.dma_semaphore, #tpu.memory_space<semaphore_mem>>)
          %dma_start3A_449 = arith.constant 1 : i32
          %dma_start3A_450 = arith.constant 0 : i32
          %dma_start3A_451 = tpu.memref_slice %arg37[%dma_start3A_449, %add3A_438, %dma_start3A_450] : memref<2x256x500xf32, #tpu.memory_space<vmem>> -> memref<1x1x500xf32, #tpu.memory_space<vmem>>
          %dma_start3A_452 = tpu.memref_squeeze %dma_start3A_451 : memref<1x1x500xf32, #tpu.memory_space<vmem>> -> memref<1x500xf32, #tpu.memory_space<vmem>>
          %dma_start3A_453 = arith.constant 0 : i32
          %dma_start3A_454 = tpu.memref_slice %arg8[%get3A_440, %dma_start3A_453] : memref<100000x500xf32, #tpu.memory_space<any>> -> memref<1x500xf32, #tpu.memory_space<any>>
          tpu.enqueue_dma source(%dma_start3A_454 : memref<1x500xf32, #tpu.memory_space<any>>) target(%dma_start3A_452 : memref<1x500xf32, #tpu.memory_space<vmem>>) target_semaphore(%arg39 : memref<!tpu.dma_semaphore, #tpu.memory_space<semaphore_mem>>)
          %dma_start3A_455 = arith.constant 1 : i32
          %dma_start3A_456 = arith.constant 0 : i32
          %dma_start3A_457 = tpu.memref_slice %arg36[%dma_start3A_455, %add3A_438, %dma_start3A_456] : memref<2x256x500xf32, #tpu.memory_space<vmem>> -> memref<1x1x500xf32, #tpu.memory_space<vmem>>
          %dma_start3A_458 = tpu.memref_squeeze %dma_start3A_457 : memref<1x1x500xf32, #tpu.memory_space<vmem>> -> memref<1x500xf32, #tpu.memory_space<vmem>>
          %dma_start3A_459 = arith.constant 0 : i32
          %dma_start3A_460 = tpu.memref_slice %arg7[%get3A_442, %dma_start3A_459] : memref<100000x500xf32, #tpu.memory_space<any>> -> memref<1x500xf32, #tpu.memory_space<any>>
          tpu.enqueue_dma source(%dma_start3A_460 : memref<1x500xf32, #tpu.memory_space<any>>) target(%dma_start3A_458 : memref<1x500xf32, #tpu.memory_space<vmem>>) target_semaphore(%arg39 : memref<!tpu.dma_semaphore, #tpu.memory_space<semaphore_mem>>)
          %add3A_461 = arith.constant 7 : i32
          %add3A_462 = arith.addi %add3A_265, %add3A_461 : i32
          %mul3A_463 = arith.constant 8 : i32
          %mul3A_464 = arith.muli %scan3A_260, %mul3A_463 : i32
          %add3A_465 = arith.constant 7 : i32
          %add3A_466 = arith.addi %mul3A_464, %add3A_465 : i32
          %get3A_467 = arith.index_cast %add3A_462 : i32 to index
          %get3A_468 = memref.load %arg1[%get3A_467] : memref<1024xi32, #tpu.memory_space<smem>>
          %get3A_469 = arith.index_cast %add3A_462 : i32 to index
          %get3A_470 = memref.load %arg2[%get3A_469] : memref<1024xi32, #tpu.memory_space<smem>>
          %dma_start3A_471 = arith.constant 1 : i32
          %dma_start3A_472 = arith.constant 0 : i32
          %dma_start3A_473 = tpu.memref_slice %arg35[%dma_start3A_471, %add3A_466, %dma_start3A_472] : memref<2x256x500xf32, #tpu.memory_space<vmem>> -> memref<1x1x500xf32, #tpu.memory_space<vmem>>
          %dma_start3A_474 = tpu.memref_squeeze %dma_start3A_473 : memref<1x1x500xf32, #tpu.memory_space<vmem>> -> memref<1x500xf32, #tpu.memory_space<vmem>>
          %dma_start3A_475 = arith.constant 0 : i32
          %dma_start3A_476 = tpu.memref_slice %arg7[%get3A_468, %dma_start3A_475] : memref<100000x500xf32, #tpu.memory_space<any>> -> memref<1x500xf32, #tpu.memory_space<any>>
          tpu.enqueue_dma source(%dma_start3A_476 : memref<1x500xf32, #tpu.memory_space<any>>) target(%dma_start3A_474 : memref<1x500xf32, #tpu.memory_space<vmem>>) target_semaphore(%arg39 : memref<!tpu.dma_semaphore, #tpu.memory_space<semaphore_mem>>)
          %dma_start3A_477 = arith.constant 1 : i32
          %dma_start3A_478 = arith.constant 0 : i32
          %dma_start3A_479 = tpu.memref_slice %arg37[%dma_start3A_477, %add3A_466, %dma_start3A_478] : memref<2x256x500xf32, #tpu.memory_space<vmem>> -> memref<1x1x500xf32, #tpu.memory_space<vmem>>
          %dma_start3A_480 = tpu.memref_squeeze %dma_start3A_479 : memref<1x1x500xf32, #tpu.memory_space<vmem>> -> memref<1x500xf32, #tpu.memory_space<vmem>>
          %dma_start3A_481 = arith.constant 0 : i32
          %dma_start3A_482 = tpu.memref_slice %arg8[%get3A_468, %dma_start3A_481] : memref<100000x500xf32, #tpu.memory_space<any>> -> memref<1x500xf32, #tpu.memory_space<any>>
          tpu.enqueue_dma source(%dma_start3A_482 : memref<1x500xf32, #tpu.memory_space<any>>) target(%dma_start3A_480 : memref<1x500xf32, #tpu.memory_space<vmem>>) target_semaphore(%arg39 : memref<!tpu.dma_semaphore, #tpu.memory_space<semaphore_mem>>)
          %dma_start3A_483 = arith.constant 1 : i32
          %dma_start3A_484 = arith.constant 0 : i32
          %dma_start3A_485 = tpu.memref_slice %arg36[%dma_start3A_483, %add3A_466, %dma_start3A_484] : memref<2x256x500xf32, #tpu.memory_space<vmem>> -> memref<1x1x500xf32, #tpu.memory_space<vmem>>
          %dma_start3A_486 = tpu.memref_squeeze %dma_start3A_485 : memref<1x1x500xf32, #tpu.memory_space<vmem>> -> memref<1x500xf32, #tpu.memory_space<vmem>>
          %dma_start3A_487 = arith.constant 0 : i32
          %dma_start3A_488 = tpu.memref_slice %arg7[%get3A_470, %dma_start3A_487] : memref<100000x500xf32, #tpu.memory_space<any>> -> memref<1x500xf32, #tpu.memory_space<any>>
          tpu.enqueue_dma source(%dma_start3A_488 : memref<1x500xf32, #tpu.memory_space<any>>) target(%dma_start3A_486 : memref<1x500xf32, #tpu.memory_space<vmem>>) target_semaphore(%arg39 : memref<!tpu.dma_semaphore, #tpu.memory_space<semaphore_mem>>)
        }
        %scan3A_259 = arith.constant 32 : i32
      } else {
      }
    } else {
    }
    %rem3A = arith.constant 2 : i32
    %rem3A_8 = arith.remsi %arg0, %rem3A : i32
    %eq3A_9 = arith.constant 0 : i32
    %eq3A_10 = arith.cmpi eq, %rem3A_8, %eq3A_9 : i32
    %convert_element_type3A_11 = arith.extui %eq3A_10 : i1 to i32
    %cond3A_12 = arith.constant 0 : i32
    %cond3A_13 = arith.cmpi ne, %convert_element_type3A_11, %cond3A_12 : i32
    scf.if %cond3A_13 {
      %dma_wait3A = arith.constant 0 : i32
      %dma_wait3A_240 = arith.constant 0 : i32
      %dma_wait3A_241 = arith.constant 0 : i32
      %dma_wait3A_242 = tpu.memref_slice %arg35[%dma_wait3A, %dma_wait3A_240, %dma_wait3A_241] : memref<2x256x500xf32, #tpu.memory_space<vmem>> -> memref<1x256x500xf32, #tpu.memory_space<vmem>>
      %dma_wait3A_243 = tpu.memref_squeeze %dma_wait3A_242 : memref<1x256x500xf32, #tpu.memory_space<vmem>> -> memref<256x500xf32, #tpu.memory_space<vmem>>
      %dma_wait3A_244 = arith.constant 0 : i32
      %dma_wait3A_245 = arith.constant 0 : i32
      %dma_wait3A_246 = tpu.memref_slice %arg7[%dma_wait3A_244, %dma_wait3A_245] : memref<100000x500xf32, #tpu.memory_space<any>> -> memref<256x500xf32, #tpu.memory_space<any>>
      tpu.wait_dma2 semaphore(%arg38 : memref<!tpu.dma_semaphore, #tpu.memory_space<semaphore_mem>>) src(%dma_wait3A_246 : memref<256x500xf32, #tpu.memory_space<any>>) dst(%dma_wait3A_243 : memref<256x500xf32, #tpu.memory_space<vmem>>)
      %dma_wait3A_247 = arith.constant 0 : i32
      %dma_wait3A_248 = arith.constant 0 : i32
      %dma_wait3A_249 = arith.constant 0 : i32
      %dma_wait3A_250 = tpu.memref_slice %arg35[%dma_wait3A_247, %dma_wait3A_248, %dma_wait3A_249] : memref<2x256x500xf32, #tpu.memory_space<vmem>> -> memref<1x256x500xf32, #tpu.memory_space<vmem>>
      %dma_wait3A_251 = tpu.memref_squeeze %dma_wait3A_250 : memref<1x256x500xf32, #tpu.memory_space<vmem>> -> memref<256x500xf32, #tpu.memory_space<vmem>>
      %dma_wait3A_252 = arith.constant 0 : i32
      %dma_wait3A_253 = arith.constant 0 : i32
      %dma_wait3A_254 = tpu.memref_slice %arg7[%dma_wait3A_252, %dma_wait3A_253] : memref<100000x500xf32, #tpu.memory_space<any>> -> memref<256x500xf32, #tpu.memory_space<any>>
      tpu.wait_dma2 semaphore(%arg38 : memref<!tpu.dma_semaphore, #tpu.memory_space<semaphore_mem>>) src(%dma_wait3A_254 : memref<256x500xf32, #tpu.memory_space<any>>) dst(%dma_wait3A_251 : memref<256x500xf32, #tpu.memory_space<vmem>>)
      %dma_wait3A_255 = arith.constant 0 : i32
      %dma_wait3A_256 = arith.constant 0 : i32
      %dma_wait3A_257 = arith.constant 0 : i32
      %dma_wait3A_258 = tpu.memref_slice %arg35[%dma_wait3A_255, %dma_wait3A_256, %dma_wait3A_257] : memref<2x256x500xf32, #tpu.memory_space<vmem>> -> memref<1x256x500xf32, #tpu.memory_space<vmem>>
      %dma_wait3A_259 = tpu.memref_squeeze %dma_wait3A_258 : memref<1x256x500xf32, #tpu.memory_space<vmem>> -> memref<256x500xf32, #tpu.memory_space<vmem>>
      %dma_wait3A_260 = arith.constant 0 : i32
      %dma_wait3A_261 = arith.constant 0 : i32
      %dma_wait3A_262 = tpu.memref_slice %arg7[%dma_wait3A_260, %dma_wait3A_261] : memref<100000x500xf32, #tpu.memory_space<any>> -> memref<256x500xf32, #tpu.memory_space<any>>
      tpu.wait_dma2 semaphore(%arg38 : memref<!tpu.dma_semaphore, #tpu.memory_space<semaphore_mem>>) src(%dma_wait3A_262 : memref<256x500xf32, #tpu.memory_space<any>>) dst(%dma_wait3A_259 : memref<256x500xf32, #tpu.memory_space<vmem>>)
    } else {
    }
    %rem3A_14 = arith.constant 2 : i32
    %rem3A_15 = arith.remsi %arg0, %rem3A_14 : i32
    %eq3A_16 = arith.constant 1 : i32
    %eq3A_17 = arith.cmpi eq, %rem3A_15, %eq3A_16 : i32
    %convert_element_type3A_18 = arith.extui %eq3A_17 : i1 to i32
    %cond3A_19 = arith.constant 0 : i32
    %cond3A_20 = arith.cmpi ne, %convert_element_type3A_18, %cond3A_19 : i32
    scf.if %cond3A_20 {
      %dma_wait3A = arith.constant 0 : i32
      %dma_wait3A_240 = arith.constant 0 : i32
      %dma_wait3A_241 = arith.constant 0 : i32
      %dma_wait3A_242 = tpu.memref_slice %arg35[%dma_wait3A, %dma_wait3A_240, %dma_wait3A_241] : memref<2x256x500xf32, #tpu.memory_space<vmem>> -> memref<1x256x500xf32, #tpu.memory_space<vmem>>
      %dma_wait3A_243 = tpu.memref_squeeze %dma_wait3A_242 : memref<1x256x500xf32, #tpu.memory_space<vmem>> -> memref<256x500xf32, #tpu.memory_space<vmem>>
      %dma_wait3A_244 = arith.constant 0 : i32
      %dma_wait3A_245 = arith.constant 0 : i32
      %dma_wait3A_246 = tpu.memref_slice %arg7[%dma_wait3A_244, %dma_wait3A_245] : memref<100000x500xf32, #tpu.memory_space<any>> -> memref<256x500xf32, #tpu.memory_space<any>>
      tpu.wait_dma2 semaphore(%arg39 : memref<!tpu.dma_semaphore, #tpu.memory_space<semaphore_mem>>) src(%dma_wait3A_246 : memref<256x500xf32, #tpu.memory_space<any>>) dst(%dma_wait3A_243 : memref<256x500xf32, #tpu.memory_space<vmem>>)
      %dma_wait3A_247 = arith.constant 0 : i32
      %dma_wait3A_248 = arith.constant 0 : i32
      %dma_wait3A_249 = arith.constant 0 : i32
      %dma_wait3A_250 = tpu.memref_slice %arg35[%dma_wait3A_247, %dma_wait3A_248, %dma_wait3A_249] : memref<2x256x500xf32, #tpu.memory_space<vmem>> -> memref<1x256x500xf32, #tpu.memory_space<vmem>>
      %dma_wait3A_251 = tpu.memref_squeeze %dma_wait3A_250 : memref<1x256x500xf32, #tpu.memory_space<vmem>> -> memref<256x500xf32, #tpu.memory_space<vmem>>
      %dma_wait3A_252 = arith.constant 0 : i32
      %dma_wait3A_253 = arith.constant 0 : i32
      %dma_wait3A_254 = tpu.memref_slice %arg7[%dma_wait3A_252, %dma_wait3A_253] : memref<100000x500xf32, #tpu.memory_space<any>> -> memref<256x500xf32, #tpu.memory_space<any>>
      tpu.wait_dma2 semaphore(%arg39 : memref<!tpu.dma_semaphore, #tpu.memory_space<semaphore_mem>>) src(%dma_wait3A_254 : memref<256x500xf32, #tpu.memory_space<any>>) dst(%dma_wait3A_251 : memref<256x500xf32, #tpu.memory_space<vmem>>)
      %dma_wait3A_255 = arith.constant 0 : i32
      %dma_wait3A_256 = arith.constant 0 : i32
      %dma_wait3A_257 = arith.constant 0 : i32
      %dma_wait3A_258 = tpu.memref_slice %arg35[%dma_wait3A_255, %dma_wait3A_256, %dma_wait3A_257] : memref<2x256x500xf32, #tpu.memory_space<vmem>> -> memref<1x256x500xf32, #tpu.memory_space<vmem>>
      %dma_wait3A_259 = tpu.memref_squeeze %dma_wait3A_258 : memref<1x256x500xf32, #tpu.memory_space<vmem>> -> memref<256x500xf32, #tpu.memory_space<vmem>>
      %dma_wait3A_260 = arith.constant 0 : i32
      %dma_wait3A_261 = arith.constant 0 : i32
      %dma_wait3A_262 = tpu.memref_slice %arg7[%dma_wait3A_260, %dma_wait3A_261] : memref<100000x500xf32, #tpu.memory_space<any>> -> memref<256x500xf32, #tpu.memory_space<any>>
      tpu.wait_dma2 semaphore(%arg39 : memref<!tpu.dma_semaphore, #tpu.memory_space<semaphore_mem>>) src(%dma_wait3A_262 : memref<256x500xf32, #tpu.memory_space<any>>) dst(%dma_wait3A_259 : memref<256x500xf32, #tpu.memory_space<vmem>>)
    } else {
    }
    %rem3A_21 = arith.constant 2 : i32
    %rem3A_22 = arith.remsi %arg0, %rem3A_21 : i32
    %eq3A_23 = arith.constant 1 : i32
    %eq3A_24 = arith.cmpi eq, %rem3A_22, %eq3A_23 : i32
    %get3A = arith.constant 1 : index
    %get3A_25 = arith.constant 0 : index
    %get3A_26 = arith.constant 0 : index
    %get3A_27 = vector.load %arg35[%get3A, %get3A_25, %get3A_26] : memref<2x256x500xf32, #tpu.memory_space<vmem>>, vector<1x256x500xf32>
    %get3A_28 = vector.shape_cast %get3A_27 : vector<1x256x500xf32> to vector<256x500xf32>
    %get3A_29 = arith.constant 0 : index
    %get3A_30 = arith.constant 0 : index
    %get3A_31 = arith.constant 0 : index
    %get3A_32 = vector.load %arg35[%get3A_29, %get3A_30, %get3A_31] : memref<2x256x500xf32, #tpu.memory_space<vmem>>, vector<1x256x500xf32>
    %get3A_33 = vector.shape_cast %get3A_32 : vector<1x256x500xf32> to vector<256x500xf32>
    %select_n3A = arith.select %eq3A_24, %get3A_28, %get3A_33 : vector<256x500xf32>
    %get3A_34 = arith.constant 1 : index
    %get3A_35 = arith.constant 0 : index
    %get3A_36 = arith.constant 0 : index
    %get3A_37 = vector.load %arg36[%get3A_34, %get3A_35, %get3A_36] : memref<2x256x500xf32, #tpu.memory_space<vmem>>, vector<1x256x500xf32>
    %get3A_38 = vector.shape_cast %get3A_37 : vector<1x256x500xf32> to vector<256x500xf32>
    %get3A_39 = arith.constant 0 : index
    %get3A_40 = arith.constant 0 : index
    %get3A_41 = arith.constant 0 : index
    %get3A_42 = vector.load %arg36[%get3A_39, %get3A_40, %get3A_41] : memref<2x256x500xf32, #tpu.memory_space<vmem>>, vector<1x256x500xf32>
    %get3A_43 = vector.shape_cast %get3A_42 : vector<1x256x500xf32> to vector<256x500xf32>
    %select_n3A_44 = arith.select %eq3A_24, %get3A_38, %get3A_43 : vector<256x500xf32>
    %get3A_45 = arith.constant 1 : index
    %get3A_46 = arith.constant 0 : index
    %get3A_47 = arith.constant 0 : index
    %get3A_48 = vector.load %arg37[%get3A_45, %get3A_46, %get3A_47] : memref<2x256x500xf32, #tpu.memory_space<vmem>>, vector<1x256x500xf32>
    %get3A_49 = vector.shape_cast %get3A_48 : vector<1x256x500xf32> to vector<256x500xf32>
    %get3A_50 = arith.constant 0 : index
    %get3A_51 = arith.constant 0 : index
    %get3A_52 = arith.constant 0 : index
    %get3A_53 = vector.load %arg37[%get3A_50, %get3A_51, %get3A_52] : memref<2x256x500xf32, #tpu.memory_space<vmem>>, vector<1x256x500xf32>
    %get3A_54 = vector.shape_cast %get3A_53 : vector<1x256x500xf32> to vector<256x500xf32>
    %select_n3A_55 = arith.select %eq3A_24, %get3A_49, %get3A_54 : vector<256x500xf32>
    %get3A_56 = arith.constant 0 : index
    %get3A_57 = arith.constant 0 : index
    %get3A_58 = vector.load %arg3[%get3A_56, %get3A_57] : memref<256x1xf32, #tpu.memory_space<vmem>>, vector<256x1xf32>
    %get3A_59 = arith.constant 0 : index
    %get3A_60 = arith.constant 0 : index
    %get3A_61 = vector.load %arg4[%get3A_59, %get3A_60] : memref<256x1xf32, #tpu.memory_space<vmem>>, vector<256x1xf32>
    %get3A_62 = arith.constant 0 : index
    %get3A_63 = arith.constant 0 : index
    %get3A_64 = vector.load %arg5[%get3A_62, %get3A_63] : memref<256x1xi32, #tpu.memory_space<vmem>>, vector<256x1xi32>
    %get3A_65 = arith.constant 0 : index
    %get3A_66 = arith.constant 0 : index
    %get3A_67 = vector.load %arg6[%get3A_65, %get3A_66] : memref<1x1024xi32, #tpu.memory_space<vmem>>, vector<1x1024xi32>
    %get3A_68 = arith.constant 0 : index
    %get3A_69 = arith.constant 0 : index
    %get3A_70 = vector.load %arg9[%get3A_68, %get3A_69] : memref<1x500xf32, #tpu.memory_space<vmem>>, vector<1x500xf32>
    %mul3A = vector.broadcast %get3A_58 : vector<256x1xf32> to vector<256x500xf32>
    %mul3A_71 = vector.broadcast %get3A_70 : vector<1x500xf32> to vector<256x500xf32>
    %mul3A_72 = arith.mulf %mul3A, %mul3A_71 : vector<256x500xf32>
    %get3A_73 = arith.constant 0 : index
    %get3A_74 = arith.constant 0 : index
    %get3A_75 = vector.load %arg10[%get3A_73, %get3A_74] : memref<1x500xf32, #tpu.memory_space<vmem>>, vector<1x500xf32>
    %add3A_76 = vector.broadcast %get3A_75 : vector<1x500xf32> to vector<256x500xf32>
    %add3A_77 = arith.addf %mul3A_72, %add3A_76 : vector<256x500xf32>
    %cos3A = math.cos %add3A_77 : vector<256x500xf32>
    %get3A_78 = arith.constant 0 : index
    %get3A_79 = arith.constant 0 : index
    %get3A_80 = vector.load %arg11[%get3A_78, %get3A_79] : memref<500x500xf32, #tpu.memory_space<vmem>>, vector<500x500xf32>
    %get3A_81 = arith.constant 0 : index
    %get3A_82 = arith.constant 0 : index
    %get3A_83 = vector.load %arg15[%get3A_81, %get3A_82] : memref<500x500xf32, #tpu.memory_space<vmem>>, vector<500x500xf32>
    %add3A_84 = arith.addf %get3A_80, %get3A_83 : vector<500x500xf32>
    %dot_general3A = arith.constant dense<0.000000e+00> : vector<256x500xf32>
    %dot_general3A_85 = tpu.matmul %select_n3A, %add3A_84, %dot_general3A {dimension_numbers = #tpu.dot_dimension_numbers<[1], [0], [0], [1], [0, 0, 1, 1], [], []>, transpose_lhs_hint = false} : vector<256x500xf32>, vector<500x500xf32>, vector<256x500xf32> -> vector<256x500xf32>
    %get3A_86 = arith.constant 0 : index
    %get3A_87 = arith.constant 0 : index
    %get3A_88 = vector.load %arg12[%get3A_86, %get3A_87] : memref<500x500xf32, #tpu.memory_space<vmem>>, vector<500x500xf32>
    %dot_general3A_89 = arith.constant dense<0.000000e+00> : vector<256x500xf32>
    %dot_general3A_90 = tpu.matmul %select_n3A_44, %get3A_88, %dot_general3A_89 {dimension_numbers = #tpu.dot_dimension_numbers<[1], [0], [0], [1], [0, 0, 1, 1], [], []>, transpose_lhs_hint = false} : vector<256x500xf32>, vector<500x500xf32>, vector<256x500xf32> -> vector<256x500xf32>
    %add3A_91 = arith.addf %dot_general3A_85, %dot_general3A_90 : vector<256x500xf32>
    %get3A_92 = arith.constant 0 : index
    %get3A_93 = arith.constant 0 : index
    %get3A_94 = vector.load %arg14[%get3A_92, %get3A_93] : memref<500x500xf32, #tpu.memory_space<vmem>>, vector<500x500xf32>
    %dot_general3A_95 = arith.constant dense<0.000000e+00> : vector<256x500xf32>
    %dot_general3A_96 = tpu.matmul %cos3A, %get3A_94, %dot_general3A_95 {dimension_numbers = #tpu.dot_dimension_numbers<[1], [0], [0], [1], [0, 0, 1, 1], [], []>, transpose_lhs_hint = false} : vector<256x500xf32>, vector<500x500xf32>, vector<256x500xf32> -> vector<256x500xf32>
    %add3A_97 = arith.addf %add3A_91, %dot_general3A_96 : vector<256x500xf32>
    %get3A_98 = arith.constant 0 : index
    %get3A_99 = arith.constant 0 : index
    %get3A_100 = vector.load %arg13[%get3A_98, %get3A_99] : memref<1x500xf32, #tpu.memory_space<vmem>>, vector<1x500xf32>
    %mul3A_101 = vector.broadcast %get3A_61 : vector<256x1xf32> to vector<256x500xf32>
    %mul3A_102 = vector.broadcast %get3A_100 : vector<1x500xf32> to vector<256x500xf32>
    %mul3A_103 = arith.mulf %mul3A_101, %mul3A_102 : vector<256x500xf32>
    %add3A_104 = arith.addf %add3A_97, %mul3A_103 : vector<256x500xf32>
    %get3A_105 = arith.constant 0 : index
    %get3A_106 = arith.constant 0 : index
    %get3A_107 = vector.load %arg16[%get3A_105, %get3A_106] : memref<1x500xf32, #tpu.memory_space<vmem>>, vector<1x500xf32>
    %add3A_108 = vector.broadcast %get3A_107 : vector<1x500xf32> to vector<256x500xf32>
    %add3A_109 = arith.addf %add3A_104, %add3A_108 : vector<256x500xf32>
    %logistic3A = arith.negf %add3A_109 : vector<256x500xf32>
    %logistic3A_110 = math.exp %logistic3A : vector<256x500xf32>
    %logistic3A_111 = arith.constant 1.000000e+00 : f32
    %logistic3A_112 = vector.broadcast %logistic3A_111 : f32 to vector<256x500xf32>
    %logistic3A_113 = arith.addf %logistic3A_112, %logistic3A_110 : vector<256x500xf32>
    %logistic3A_114 = arith.divf %logistic3A_112, %logistic3A_113 : vector<256x500xf32>
    %get3A_115 = arith.constant 0 : index
    %get3A_116 = arith.constant 0 : index
    %get3A_117 = vector.load %arg17[%get3A_115, %get3A_116] : memref<500x500xf32, #tpu.memory_space<vmem>>, vector<500x500xf32>
    %get3A_118 = arith.constant 0 : index
    %get3A_119 = arith.constant 0 : index
    %get3A_120 = vector.load %arg21[%get3A_118, %get3A_119] : memref<500x500xf32, #tpu.memory_space<vmem>>, vector<500x500xf32>
    %add3A_121 = arith.addf %get3A_117, %get3A_120 : vector<500x500xf32>
    %dot_general3A_122 = arith.constant dense<0.000000e+00> : vector<256x500xf32>
    %dot_general3A_123 = tpu.matmul %select_n3A, %add3A_121, %dot_general3A_122 {dimension_numbers = #tpu.dot_dimension_numbers<[1], [0], [0], [1], [0, 0, 1, 1], [], []>, transpose_lhs_hint = false} : vector<256x500xf32>, vector<500x500xf32>, vector<256x500xf32> -> vector<256x500xf32>
    %get3A_124 = arith.constant 0 : index
    %get3A_125 = arith.constant 0 : index
    %get3A_126 = vector.load %arg18[%get3A_124, %get3A_125] : memref<500x500xf32, #tpu.memory_space<vmem>>, vector<500x500xf32>
    %dot_general3A_127 = arith.constant dense<0.000000e+00> : vector<256x500xf32>
    %dot_general3A_128 = tpu.matmul %select_n3A_44, %get3A_126, %dot_general3A_127 {dimension_numbers = #tpu.dot_dimension_numbers<[1], [0], [0], [1], [0, 0, 1, 1], [], []>, transpose_lhs_hint = false} : vector<256x500xf32>, vector<500x500xf32>, vector<256x500xf32> -> vector<256x500xf32>
    %add3A_129 = arith.addf %dot_general3A_123, %dot_general3A_128 : vector<256x500xf32>
    %get3A_130 = arith.constant 0 : index
    %get3A_131 = arith.constant 0 : index
    %get3A_132 = vector.load %arg20[%get3A_130, %get3A_131] : memref<500x500xf32, #tpu.memory_space<vmem>>, vector<500x500xf32>
    %dot_general3A_133 = arith.constant dense<0.000000e+00> : vector<256x500xf32>
    %dot_general3A_134 = tpu.matmul %cos3A, %get3A_132, %dot_general3A_133 {dimension_numbers = #tpu.dot_dimension_numbers<[1], [0], [0], [1], [0, 0, 1, 1], [], []>, transpose_lhs_hint = false} : vector<256x500xf32>, vector<500x500xf32>, vector<256x500xf32> -> vector<256x500xf32>
    %add3A_135 = arith.addf %add3A_129, %dot_general3A_134 : vector<256x500xf32>
    %get3A_136 = arith.constant 0 : index
    %get3A_137 = arith.constant 0 : index
    %get3A_138 = vector.load %arg19[%get3A_136, %get3A_137] : memref<1x500xf32, #tpu.memory_space<vmem>>, vector<1x500xf32>
    %mul3A_139 = vector.broadcast %get3A_61 : vector<256x1xf32> to vector<256x500xf32>
    %mul3A_140 = vector.broadcast %get3A_138 : vector<1x500xf32> to vector<256x500xf32>
    %mul3A_141 = arith.mulf %mul3A_139, %mul3A_140 : vector<256x500xf32>
    %add3A_142 = arith.addf %add3A_135, %mul3A_141 : vector<256x500xf32>
    %get3A_143 = arith.constant 0 : index
    %get3A_144 = arith.constant 0 : index
    %get3A_145 = vector.load %arg22[%get3A_143, %get3A_144] : memref<1x500xf32, #tpu.memory_space<vmem>>, vector<1x500xf32>
    %add3A_146 = vector.broadcast %get3A_145 : vector<1x500xf32> to vector<256x500xf32>
    %add3A_147 = arith.addf %add3A_142, %add3A_146 : vector<256x500xf32>
    %logistic3A_148 = arith.negf %add3A_147 : vector<256x500xf32>
    %logistic3A_149 = math.exp %logistic3A_148 : vector<256x500xf32>
    %logistic3A_150 = arith.constant 1.000000e+00 : f32
    %logistic3A_151 = vector.broadcast %logistic3A_150 : f32 to vector<256x500xf32>
    %logistic3A_152 = arith.addf %logistic3A_151, %logistic3A_149 : vector<256x500xf32>
    %logistic3A_153 = arith.divf %logistic3A_151, %logistic3A_152 : vector<256x500xf32>
    %get3A_154 = arith.constant 0 : index
    %get3A_155 = arith.constant 0 : index
    %get3A_156 = vector.load %arg23[%get3A_154, %get3A_155] : memref<500x500xf32, #tpu.memory_space<vmem>>, vector<500x500xf32>
    %dot_general3A_157 = arith.constant dense<0.000000e+00> : vector<256x500xf32>
    %dot_general3A_158 = tpu.matmul %select_n3A, %get3A_156, %dot_general3A_157 {dimension_numbers = #tpu.dot_dimension_numbers<[1], [0], [0], [1], [0, 0, 1, 1], [], []>, transpose_lhs_hint = false} : vector<256x500xf32>, vector<500x500xf32>, vector<256x500xf32> -> vector<256x500xf32>
    %get3A_159 = arith.constant 0 : index
    %get3A_160 = arith.constant 0 : index
    %get3A_161 = vector.load %arg24[%get3A_159, %get3A_160] : memref<500x500xf32, #tpu.memory_space<vmem>>, vector<500x500xf32>
    %dot_general3A_162 = arith.constant dense<0.000000e+00> : vector<256x500xf32>
    %dot_general3A_163 = tpu.matmul %select_n3A_44, %get3A_161, %dot_general3A_162 {dimension_numbers = #tpu.dot_dimension_numbers<[1], [0], [0], [1], [0, 0, 1, 1], [], []>, transpose_lhs_hint = false} : vector<256x500xf32>, vector<500x500xf32>, vector<256x500xf32> -> vector<256x500xf32>
    %add3A_164 = arith.addf %dot_general3A_158, %dot_general3A_163 : vector<256x500xf32>
    %get3A_165 = arith.constant 0 : index
    %get3A_166 = arith.constant 0 : index
    %get3A_167 = vector.load %arg26[%get3A_165, %get3A_166] : memref<500x500xf32, #tpu.memory_space<vmem>>, vector<500x500xf32>
    %dot_general3A_168 = arith.constant dense<0.000000e+00> : vector<256x500xf32>
    %dot_general3A_169 = tpu.matmul %cos3A, %get3A_167, %dot_general3A_168 {dimension_numbers = #tpu.dot_dimension_numbers<[1], [0], [0], [1], [0, 0, 1, 1], [], []>, transpose_lhs_hint = false} : vector<256x500xf32>, vector<500x500xf32>, vector<256x500xf32> -> vector<256x500xf32>
    %add3A_170 = arith.addf %add3A_164, %dot_general3A_169 : vector<256x500xf32>
    %get3A_171 = arith.constant 0 : index
    %get3A_172 = arith.constant 0 : index
    %get3A_173 = vector.load %arg25[%get3A_171, %get3A_172] : memref<1x500xf32, #tpu.memory_space<vmem>>, vector<1x500xf32>
    %mul3A_174 = vector.broadcast %get3A_61 : vector<256x1xf32> to vector<256x500xf32>
    %mul3A_175 = vector.broadcast %get3A_173 : vector<1x500xf32> to vector<256x500xf32>
    %mul3A_176 = arith.mulf %mul3A_174, %mul3A_175 : vector<256x500xf32>
    %add3A_177 = arith.addf %add3A_170, %mul3A_176 : vector<256x500xf32>
    %get3A_178 = arith.constant 0 : index
    %get3A_179 = arith.constant 0 : index
    %get3A_180 = vector.load %arg28[%get3A_178, %get3A_179] : memref<1x500xf32, #tpu.memory_space<vmem>>, vector<1x500xf32>
    %add3A_181 = vector.broadcast %get3A_180 : vector<1x500xf32> to vector<256x500xf32>
    %add3A_182 = arith.addf %add3A_177, %add3A_181 : vector<256x500xf32>
    %mul3A_183 = arith.mulf %logistic3A_153, %select_n3A : vector<256x500xf32>
    %get3A_184 = arith.constant 0 : index
    %get3A_185 = arith.constant 0 : index
    %get3A_186 = vector.load %arg27[%get3A_184, %get3A_185] : memref<500x500xf32, #tpu.memory_space<vmem>>, vector<500x500xf32>
    %dot_general3A_187 = arith.constant dense<0.000000e+00> : vector<256x500xf32>
    %dot_general3A_188 = tpu.matmul %mul3A_183, %get3A_186, %dot_general3A_187 {dimension_numbers = #tpu.dot_dimension_numbers<[1], [0], [0], [1], [0, 0, 1, 1], [], []>, transpose_lhs_hint = false} : vector<256x500xf32>, vector<500x500xf32>, vector<256x500xf32> -> vector<256x500xf32>
    %add3A_189 = arith.addf %add3A_182, %dot_general3A_188 : vector<256x500xf32>
    %tanh3A = math.tanh %add3A_189 : vector<256x500xf32>
    %sub3A = arith.constant 1.000000e+00 : f32
    %sub3A_190 = vector.broadcast %sub3A : f32 to vector<256x500xf32>
    %sub3A_191 = arith.subf %sub3A_190, %logistic3A_114 : vector<256x500xf32>
    %mul3A_192 = arith.mulf %sub3A_191, %tanh3A : vector<256x500xf32>
    %mul3A_193 = arith.mulf %logistic3A_114, %select_n3A : vector<256x500xf32>
    %add3A_194 = arith.addf %mul3A_192, %mul3A_193 : vector<256x500xf32>
    %get3A_195 = arith.constant 0 : index
    %get3A_196 = arith.constant 0 : index
    %get3A_197 = vector.load %arg29[%get3A_195, %get3A_196] : memref<500x500xf32, #tpu.memory_space<vmem>>, vector<500x500xf32>
    %dot_general3A_198 = arith.constant dense<0.000000e+00> : vector<256x500xf32>
    %dot_general3A_199 = tpu.matmul %add3A_194, %get3A_197, %dot_general3A_198 {dimension_numbers = #tpu.dot_dimension_numbers<[1], [0], [0], [1], [0, 0, 1, 1], [], []>, transpose_lhs_hint = false} : vector<256x500xf32>, vector<500x500xf32>, vector<256x500xf32> -> vector<256x500xf32>
    %get3A_200 = arith.constant 0 : index
    %get3A_201 = arith.constant 0 : index
    %get3A_202 = vector.load %arg30[%get3A_200, %get3A_201] : memref<500x500xf32, #tpu.memory_space<vmem>>, vector<500x500xf32>
    %dot_general3A_203 = arith.constant dense<0.000000e+00> : vector<256x500xf32>
    %dot_general3A_204 = tpu.matmul %select_n3A_55, %get3A_202, %dot_general3A_203 {dimension_numbers = #tpu.dot_dimension_numbers<[1], [0], [0], [1], [0, 0, 1, 1], [], []>, transpose_lhs_hint = false} : vector<256x500xf32>, vector<500x500xf32>, vector<256x500xf32> -> vector<256x500xf32>
    %add3A_205 = arith.addf %dot_general3A_199, %dot_general3A_204 : vector<256x500xf32>
    %get3A_206 = arith.constant 0 : index
    %get3A_207 = arith.constant 0 : index
    %get3A_208 = vector.load %arg31[%get3A_206, %get3A_207] : memref<1x500xf32, #tpu.memory_space<vmem>>, vector<1x500xf32>
    %add3A_209 = vector.broadcast %get3A_208 : vector<1x500xf32> to vector<256x500xf32>
    %add3A_210 = arith.addf %add3A_205, %add3A_209 : vector<256x500xf32>
    %max3A = arith.constant 0.000000e+00 : f32
    %max3A_211 = vector.broadcast %max3A : f32 to vector<256x500xf32>
    %max3A_212 = arith.maximumf %add3A_210, %max3A_211 : vector<256x500xf32>
    %get3A_213 = arith.constant 0 : index
    %get3A_214 = arith.constant 0 : index
    %get3A_215 = vector.load %arg32[%get3A_213, %get3A_214] : memref<1x500xf32, #tpu.memory_space<vmem>>, vector<1x500xf32>
    %mul3A_216 = vector.broadcast %get3A_215 : vector<1x500xf32> to vector<256x500xf32>
    %mul3A_217 = arith.mulf %max3A_212, %mul3A_216 : vector<256x500xf32>
    %reduce_sum3A = arith.constant dense<0.000000e+00> : vector<256xf32>
    %reduce_sum3A_218 = vector.multi_reduction <add>, %mul3A_217, %reduce_sum3A [1] : vector<256x500xf32> to vector<256xf32>
    %broadcast_in_dim3A = vector.shape_cast %reduce_sum3A_218 : vector<256xf32> to vector<256x1xf32>
    %get3A_219 = arith.constant 0 : index
    %get3A_220 = arith.constant 0 : index
    %get3A_221 = vector.load %arg33[%get3A_219, %get3A_220] : memref<1x1xf32, #tpu.memory_space<vmem>>, vector<1x1xf32>
    %add3A_222 = vector.broadcast %get3A_221 : vector<1x1xf32> to vector<256x1xf32>
    %add3A_223 = arith.addf %broadcast_in_dim3A, %add3A_222 : vector<256x1xf32>
    %logistic3A_224 = arith.negf %add3A_223 : vector<256x1xf32>
    %logistic3A_225 = math.exp %logistic3A_224 : vector<256x1xf32>
    %logistic3A_226 = arith.constant 1.000000e+00 : f32
    %logistic3A_227 = vector.broadcast %logistic3A_226 : f32 to vector<256x1xf32>
    %logistic3A_228 = arith.addf %logistic3A_227, %logistic3A_225 : vector<256x1xf32>
    %logistic3A_229 = arith.divf %logistic3A_227, %logistic3A_228 : vector<256x1xf32>
    %eq3A_230 = vector.broadcast %get3A_64 : vector<256x1xi32> to vector<256x1024xi32>
    %eq3A_231 = vector.broadcast %get3A_67 : vector<1x1024xi32> to vector<256x1024xi32>
    %eq3A_232 = arith.cmpi eq, %eq3A_230, %eq3A_231 : vector<256x1024xi32>
    %convert_element_type3A_233 = arith.extui %eq3A_232 : vector<256x1024xi1> to vector<256x1024xi32>
    %convert_element_type3A_234 = arith.sitofp %convert_element_type3A_233 : vector<256x1024xi32> to vector<256x1024xf32>
    %reduce_max3A = arith.constant dense<0xFF800000> : vector<256xf32>
    %reduce_max3A_235 = vector.multi_reduction <maximumf>, %convert_element_type3A_234, %reduce_max3A [1] : vector<256x1024xf32> to vector<256xf32>
    %broadcast_in_dim3A_236 = vector.shape_cast %reduce_max3A_235 : vector<256xf32> to vector<256x1xf32>
    %mul3A_237 = arith.mulf %logistic3A_229, %broadcast_in_dim3A_236 : vector<256x1xf32>
    %swap3A = arith.constant 0 : index
    %swap3A_238 = arith.constant 0 : index
    %swap3A_239 = vector.load %arg34[%swap3A, %swap3A_238] : memref<256x1xf32, #tpu.memory_space<vmem>>, vector<256x1xf32>
    tpu.vector_store %arg34[%swap3A, %swap3A_238], %mul3A_237 {strides = array<i32>} : memref<256x1xf32, #tpu.memory_space<vmem>>, vector<256x1xf32>,
    return
  }
  func.func @transform_0(%arg0: i32) -> i32 {
    %c0_i32 = arith.constant 0 : i32
    %c0_i32_0 = arith.constant 0 : i32
    return %c0_i32 : i32
  }
  func.func @transform_1(%arg0: i32) -> i32 {
    %c0_i32 = arith.constant 0 : i32
    %c0_i32_0 = arith.constant 0 : i32
    return %c0_i32 : i32
  }
  func.func @transform_2(%arg0: i32) -> (i32, i32) {
    %c0_i32 = arith.constant 0 : i32
    %c0_i32_0 = arith.constant 0 : i32
    return %arg0, %c0_i32 : i32, i32
  }
  func.func @transform_3(%arg0: i32) -> (i32, i32) {
    %c0_i32 = arith.constant 0 : i32
    %c0_i32_0 = arith.constant 0 : i32
    return %arg0, %c0_i32 : i32, i32
  }
  func.func @transform_4(%arg0: i32) -> (i32, i32) {
    %c0_i32 = arith.constant 0 : i32
    %c0_i32_0 = arith.constant 0 : i32
    return %arg0, %c0_i32 : i32, i32
  }
  func.func @transform_5(%arg0: i32) -> (i32, i32) {
    %c0_i32 = arith.constant 0 : i32
    %c0_i32_0 = arith.constant 0 : i32
    %c0_i32_1 = arith.constant 0 : i32
    return %c0_i32, %c0_i32_0 : i32, i32
  }
  func.func @transform_8(%arg0: i32) -> (i32, i32) {
    %c0_i32 = arith.constant 0 : i32
    %c0_i32_0 = arith.constant 0 : i32
    %c0_i32_1 = arith.constant 0 : i32
    return %c0_i32, %c0_i32_0 : i32, i32
  }
  func.func @transform_9(%arg0: i32) -> (i32, i32) {
    %c0_i32 = arith.constant 0 : i32
    %c0_i32_0 = arith.constant 0 : i32
    %c0_i32_1 = arith.constant 0 : i32
    return %c0_i32, %c0_i32_0 : i32, i32
  }
  func.func @transform_10(%arg0: i32) -> (i32, i32) {
    %c0_i32 = arith.constant 0 : i32
    %c0_i32_0 = arith.constant 0 : i32
    %c0_i32_1 = arith.constant 0 : i32
    return %c0_i32, %c0_i32_0 : i32, i32
  }
  func.func @transform_11(%arg0: i32) -> (i32, i32) {
    %c0_i32 = arith.constant 0 : i32
    %c0_i32_0 = arith.constant 0 : i32
    %c0_i32_1 = arith.constant 0 : i32
    return %c0_i32, %c0_i32_0 : i32, i32
  }
  func.func @transform_12(%arg0: i32) -> (i32, i32) {
    %c0_i32 = arith.constant 0 : i32
    %c0_i32_0 = arith.constant 0 : i32
    %c0_i32_1 = arith.constant 0 : i32
    return %c0_i32, %c0_i32_0 : i32, i32
  }
  func.func @transform_13(%arg0: i32) -> (i32, i32) {
    %c0_i32 = arith.constant 0 : i32
    %c0_i32_0 = arith.constant 0 : i32
    %c0_i32_1 = arith.constant 0 : i32
    return %c0_i32, %c0_i32_0 : i32, i32
  }
  func.func @transform_14(%arg0: i32) -> (i32, i32) {
    %c0_i32 = arith.constant 0 : i32
    %c0_i32_0 = arith.constant 0 : i32
    %c0_i32_1 = arith.constant 0 : i32
    return %c0_i32, %c0_i32_0 : i32, i32
  }
  func.func @transform_15(%arg0: i32) -> (i32, i32) {
    %c0_i32 = arith.constant 0 : i32
    %c0_i32_0 = arith.constant 0 : i32
    %c0_i32_1 = arith.constant 0 : i32
    return %c0_i32, %c0_i32_0 : i32, i32
  }
  func.func @transform_16(%arg0: i32) -> (i32, i32) {
    %c0_i32 = arith.constant 0 : i32
    %c0_i32_0 = arith.constant 0 : i32
    %c0_i32_1 = arith.constant 0 : i32
    return %c0_i32, %c0_i32_0 : i32, i32
  }
  func.func @transform_17(%arg0: i32) -> (i32, i32) {
    %c0_i32 = arith.constant 0 : i32
    %c0_i32_0 = arith.constant 0 : i32
    %c0_i32_1 = arith.constant 0 : i32
    return %c0_i32, %c0_i32_0 : i32, i32
  }
  func.func @transform_18(%arg0: i32) -> (i32, i32) {
    %c0_i32 = arith.constant 0 : i32
    %c0_i32_0 = arith.constant 0 : i32
    %c0_i32_1 = arith.constant 0 : i32
    return %c0_i32, %c0_i32_0 : i32, i32
  }
  func.func @transform_19(%arg0: i32) -> (i32, i32) {
    %c0_i32 = arith.constant 0 : i32
    %c0_i32_0 = arith.constant 0 : i32
    %c0_i32_1 = arith.constant 0 : i32
    return %c0_i32, %c0_i32_0 : i32, i32
  }
  func.func @transform_20(%arg0: i32) -> (i32, i32) {
    %c0_i32 = arith.constant 0 : i32
    %c0_i32_0 = arith.constant 0 : i32
    %c0_i32_1 = arith.constant 0 : i32
    return %c0_i32, %c0_i32_0 : i32, i32
  }
  func.func @transform_21(%arg0: i32) -> (i32, i32) {
    %c0_i32 = arith.constant 0 : i32
    %c0_i32_0 = arith.constant 0 : i32
    %c0_i32_1 = arith.constant 0 : i32
    return %c0_i32, %c0_i32_0 : i32, i32
  }
  func.func @transform_22(%arg0: i32) -> (i32, i32) {
    %c0_i32 = arith.constant 0 : i32
    %c0_i32_0 = arith.constant 0 : i32
    %c0_i32_1 = arith.constant 0 : i32
    return %c0_i32, %c0_i32_0 : i32, i32
  }
  func.func @transform_23(%arg0: i32) -> (i32, i32) {
    %c0_i32 = arith.constant 0 : i32
    %c0_i32_0 = arith.constant 0 : i32
    %c0_i32_1 = arith.constant 0 : i32
    return %c0_i32, %c0_i32_0 : i32, i32
  }
  func.func @transform_24(%arg0: i32) -> (i32, i32) {
    %c0_i32 = arith.constant 0 : i32
    %c0_i32_0 = arith.constant 0 : i32
    %c0_i32_1 = arith.constant 0 : i32
    return %c0_i32, %c0_i32_0 : i32, i32
  }
  func.func @transform_25(%arg0: i32) -> (i32, i32) {
    %c0_i32 = arith.constant 0 : i32
    %c0_i32_0 = arith.constant 0 : i32
    %c0_i32_1 = arith.constant 0 : i32
    return %c0_i32, %c0_i32_0 : i32, i32
  }
  func.func @transform_26(%arg0: i32) -> (i32, i32) {
    %c0_i32 = arith.constant 0 : i32
    %c0_i32_0 = arith.constant 0 : i32
    %c0_i32_1 = arith.constant 0 : i32
    return %c0_i32, %c0_i32_0 : i32, i32
  }
  func.func @transform_27(%arg0: i32) -> (i32, i32) {
    %c0_i32 = arith.constant 0 : i32
    %c0_i32_0 = arith.constant 0 : i32
    %c0_i32_1 = arith.constant 0 : i32
    return %c0_i32, %c0_i32_0 : i32, i32
  }
  func.func @transform_28(%arg0: i32) -> (i32, i32) {
    %c0_i32 = arith.constant 0 : i32
    %c0_i32_0 = arith.constant 0 : i32
    %c0_i32_1 = arith.constant 0 : i32
    return %c0_i32, %c0_i32_0 : i32, i32
  }
  func.func @transform_29(%arg0: i32) -> (i32, i32) {
    %c0_i32 = arith.constant 0 : i32
    %c0_i32_0 = arith.constant 0 : i32
    %c0_i32_1 = arith.constant 0 : i32
    return %c0_i32, %c0_i32_0 : i32, i32
  }
  func.func @transform_30(%arg0: i32) -> (i32, i32) {
    %c0_i32 = arith.constant 0 : i32
    %c0_i32_0 = arith.constant 0 : i32
    %c0_i32_1 = arith.constant 0 : i32
    return %c0_i32, %c0_i32_0 : i32, i32
  }
  func.func @transform_31(%arg0: i32) -> (i32, i32) {
    %c0_i32 = arith.constant 0 : i32
    %c0_i32_0 = arith.constant 0 : i32
    %c0_i32_1 = arith.constant 0 : i32
    return %c0_i32, %c0_i32_0 : i32, i32
  }
  func.func @transform_32(%arg0: i32) -> (i32, i32) {
    %c0_i32 = arith.constant 0 : i32
    %c0_i32_0 = arith.constant 0 : i32
    %c0_i32_1 = arith.constant 0 : i32
    return %c0_i32, %c0_i32_0 : i32, i32
  }
  func.func @transform_33(%arg0: i32) -> (i32, i32) {
    %c0_i32 = arith.constant 0 : i32
    %c0_i32_0 = arith.constant 0 : i32
    return %arg0, %c0_i32 : i32, i32
  }
}

</mosaic_0001>

<sc_bundles>
// kernel: kernel.5.cloned.1.call-start
scs
__scs_entry_jumppad:
0x0: {  	(pc) =	sbr.rel $0x88, $3  }
0x1: {  	(tag) =	ssettag $0x0;
	lr =	simm.s32 $0x1  }
0x2: {  	[smem:$0x3F88] =	sst lr;
	_ =	strace $0xD0000000  }
0x3: {  	_ = 	snop  }
0x4: {  	_ = 	snop  }
0x5: {  	_ = 	snop  }
0x6: {  	_ = 	snop  }
0x7: {  	_ = 	snop  }
__scs_overlays_trampoline_lowered:
0x8: {  	[smem:$0x3F97] =	sst s0  }
0x9: {  	[smem:$0x3F98] =	sst s1  }
0xa: {  	[smem:$0x3F99] =	sst s2  }
0xb: {  	[smem:$0x3F9A] =	sst s3  }
0xc: {  	[smem:$0x3F9B] =	sst s4  }
0xd: {  	[smem:$0x3F9C] =	sst s5  }
0xe: {  	[smem:$0x3F9D] =	sst s6  }
0xf: {  	[smem:$0x3F9E] =	sst s7  }
0x10: {  	[smem:$0x3F9F] =	sst s8  }
0x11: {  	[smem:$0x3FA0] =	sst s9;
	s0 =	simm.s32 @!p0 $0x0  }
0x12: {  	s1 =	sld [smem:$0x3F86];
	s0 =	simm.s32 @p0 $0x1  }
0x13: {  	[smem:$0x3FA1] =	sst s0;
	s0 =	simm.s32 @!p1 $0x0  }
0x14: {  	s2 =	sld [smem:$0x3F85];
	s0 =	simm.s32 @p1 $0x1  }
0x15: {  	[smem:$0x3FA2] =	sst s0;
	s0 =	simm.s32 @!p2 $0x0  }
0x16: {  	s3 =	sld [smem:$0x3FDB];
	s0 =	simm.s32 @p2 $0x1  }
0x17: {  	s4 =	simm.s32 $0x1BF5;
	[smem:$0x3FA4] =	sst s0  }
0x18: {  	s0 =	sld [smem:$0x3F87];
	_ =	swait.ge [sflag:s4], $0x0  }
0x19: {  	s7 =	sld [smem:$0x3F88]  }
0x1a: {  	s8 =	sadd.s32 $0xFFFFE003, lr  }
0x1b: {  	s9 =	sadd.s32 $0xFFFFFEF7, lr;
	s5 =	simm.s32 $0xFFFFFFFF;
	p2 =	slt.u32 s8, $0xFFFFF086  }
0x1c: {  	p1 =	slt.u32 s9, $0xF7A;
	s5 =	simm.s32 @!p2 $0x0  }
0x1d: {  	s5 =	simm.s32 @p1 $0x1;
	p0 =	seq.s32 s7, s2  }
0x1e: {  	s7 =	smul.u32 @!p0 $0xF7A, s2;
	p2 =	seq.s32 @!p0 s5, $0x0  }
0x1f: {  	s9 =	smul.u32 $0xF7A, s1;
	s8 =	simm.s32 @!p0 $0x1BF5;
	p2 =	por !p2, p0  }
0x20: {  	[sflag:s8] =	ssyncset.s32 @!p0 $0xFFFFF086;
	s6 =	sadd.s32 @!p0 s3, s7;
	s7 =	simm.s32 @!p0 $0x108  }
0x21: {  	s3 =	sadd.s32 s3, s9;
	s6 =	sadd.s32 @!p0 $0x88, s6;
	s7 =	simm.s32 @p2 $0x1082  }
0x22: {  	[simem:s7], [sflag:s8] =	dma.local @!p0 [hbm:s6], $0xF7A  }
0x23: {  	s9 =	sor.u32 $0xD0000000, s2;
	s6 =	simm.s32 $0x108;
	_ =	swait.ge @!p0 [sflag:s8], $0x0  }
0x24: {  	s3 =	sadd.s32 $0x88, s3;
	s6 =	simm.s32 @!p1 $0x1082;
	[sflag:s4] =	ssyncset.s32 $0xFFFFF086  }
0x25: {  	[simem:s6], [sflag:s4] =	dma.local [hbm:s3], $0xF7A  }
0x26: {  	[smem:$0x3F88] =	sst s1;
	(tag) =	ssettag s2;
	_ =	strace s9  }
0x27: {  	s1 =	sld [smem:$0x3F98]  }
0x28: {  	s2 =	sld [smem:$0x3F99]  }
0x29: {  	s4 =	sld [smem:$0x3F9B]  }
0x2a: {  	p0 =	seq.s32 s5, $0x0;
	s5 =	sld [smem:$0x3F9C]  }
0x2b: {  	s6 =	sld [smem:$0x3F9D]  }
0x2c: {  	s7 =	sld [smem:$0x3F9E]  }
0x2d: {  	s3 =	simm.s32 $0x108;
	s8 =	sld [smem:$0x3F9F]  }
0x2e: {  	s3 =	simm.s32 @!p0 $0x1082;
	s9 =	sld [smem:$0x3FA0]  }
0x2f: {  	lr =	sadd.s32 s0, s3;
	s0 =	sld [smem:$0x3F97]  }
0x30: {  	s3 =	sld [smem:$0x3F9A]  }
0x31: {  	[smem:$0x3FA3] =	sst s10  }
0x32: {  	s10 =	sld [smem:$0x3FA1];
	_ =	sdelay $0x3  }
0x33: {  	p0 =	seq.s32 s10, $0x1;
	s10 =	sld [smem:$0x3FA3];
	_ =	sdelay $0x3  }
0x34: {  	[smem:$0x3FA3] =	sst s10  }
0x35: {  	s10 =	sld [smem:$0x3FA2];
	_ =	sdelay $0x3  }
0x36: {  	p1 =	seq.s32 s10, $0x1;
	s10 =	sld [smem:$0x3FA3];
	_ =	sdelay $0x3  }
0x37: {  	[smem:$0x3FA3] =	sst s10  }
0x38: {  	s10 =	sld [smem:$0x3FA4]  }
0x39: {  	_ = 	snop;
	(pc) =	sbr.ind lr, $3  }
0x3a: {  	_ = 	snop  }
0x3b: {  	_ = 	snop  }
0x3c: {  	p2 =	seq.s32 s10, $0x1;
	s10 =	sld [smem:$0x3FA3]  }
0x3d: {  	_ =	shalt  }
0x3e: {  	_ =	shalt  }
0x3f: {  	_ =	shalt  }
0x40: {  	_ =	shalt  }
0x41: {  	_ =	shalt  }
0x42: {  	_ =	shalt  }
0x43: {  	_ =	shalt  }
0x44: {  	_ =	shalt  }
0x45: {  	_ =	shalt  }
0x46: {  	_ =	shalt  }
0x47: {  	_ =	shalt  }
0x48: {  	_ =	shalt  }
0x49: {  	_ =	shalt  }
0x4a: {  	_ =	shalt  }
0x4b: {  	_ =	shalt  }
0x4c: {  	_ =	shalt  }
0x4d: {  	_ =	shalt  }
0x4e: {  	_ =	shalt  }
0x4f: {  	_ =	shalt  }
0x50: {  	_ =	shalt  }
0x51: {  	_ =	shalt  }
0x52: {  	_ =	shalt  }
0x53: {  	_ =	shalt  }
0x54: {  	_ =	shalt  }
0x55: {  	_ =	shalt  }
0x56: {  	_ =	shalt  }
0x57: {  	_ =	shalt  }
0x58: {  	_ =	shalt  }
0x59: {  	_ =	shalt  }
0x5a: {  	_ =	shalt  }
0x5b: {  	_ =	shalt  }
0x5c: {  	_ =	shalt  }
0x5d: {  	_ =	shalt  }
0x5e: {  	_ =	shalt  }
0x5f: {  	_ =	shalt  }
0x60: {  	_ =	shalt  }
0x61: {  	_ =	shalt  }
0x62: {  	_ =	shalt  }
0x63: {  	_ =	shalt  }
0x64: {  	_ =	shalt  }
0x65: {  	_ =	shalt  }
0x66: {  	_ =	shalt  }
0x67: {  	_ =	shalt  }
0x68: {  	_ =	shalt  }
0x69: {  	_ =	shalt  }
0x6a: {  	_ =	shalt  }
0x6b: {  	_ =	shalt  }
0x6c: {  	_ =	shalt  }
0x6d: {  	_ =	shalt  }
0x6e: {  	_ =	shalt  }
0x6f: {  	_ =	shalt  }
0x70: {  	_ =	shalt  }
0x71: {  	_ =	shalt  }
0x72: {  	_ =	shalt  }
0x73: {  	_ =	shalt  }
0x74: {  	_ =	shalt  }
0x75: {  	_ =	shalt  }
0x76: {  	_ =	shalt  }
0x77: {  	_ =	shalt  }
0x78: {  	_ =	shalt  }
0x79: {  	_ =	shalt  }
0x7a: {  	_ =	shalt  }
0x7b: {  	_ =	shalt  }
0x7c: {  	_ =	shalt  }
0x7d: {  	_ =	shalt  }
0x7e: {  	_ =	shalt  }
0x7f: {  	_ =	shalt  }
0x80: {  	_ =	shalt  }
0x81: {  	_ =	shalt  }
0x82: {  	_ =	shalt  }
0x83: {  	_ =	shalt  }
0x84: {  	_ =	shalt  }
0x85: {  	_ =	shalt  }
0x86: {  	_ =	shalt  }
0x87: {  	_ =	shalt  }
.Lfunc_end0:
.L_simem_size_0:
called_computation_lowered:
.L_overlay_start_0:
0x88: {  	s2 =	sld [smem:$0x3FD9]  }
0x89: {  	s3 =	sld [smem:$0x3FFE];
	_ =	sdelay $0x1  }
0x8a: {  	s1 =	srdreg.scid  }
0x8b: {  	s0 =	sand.u32 $0x1, s1  }
0x8c: {  	s17 =	sshll.u32 s0, $0xA;
	s2 =	sadd.s32 s3, s2  }
0x8d: {  	s2 =	sadd.s32 s2, s17  }
0x8e: {  	[smem:$0x3FAF] =	sst s2  }
0x8f: {  	_ = 	snop  }
0x90: {  	s2 =	sld [smem:$0x3FC2]  }
0x91: {  	s18 =	sld [smem:$0x3FD0];
	(tm) =	ssettm $0x1  }
0x92: {  	s4 =	sld [smem:$0x3FFB];
	_ =	sdelay $0x3  }
0x93: {  	_ =	strace s4  }
0x94: {  	s4 =	sld [smem:$0x3FFC];
	_ =	sdelay $0x3  }
0x95: {  	_ =	strace s4  }
0x96: {  	s4 =	sld [smem:$0x3FFD];
	_ =	sdelay $0x3  }
0x97: {  	_ =	strace s4  }
0x98: {  	_ =	strace $0x8FFFFFFF  }
0x99: {  	s19 =	sld [smem:$0x3FDB];
	_ =	sdelay $0x1  }
0x9a: {  	s5 =	simm.s32 $_scs_section_size  }
0x9b: {  	s6 =	simm.s32 $_size__tile_overlayer_lowered;
	s7 =	simm.s32 $_tile_overlayer_lowered  }
0x9c: {  	s22 =	simm.s32 $0x1BFF;
	s21 =	sshll.u32 s7, $0x1;
	s4 =	sadd.s32 s5, s19  }
0x9d: {  	s8 =	simm.s32 $0x0;
	s20 =	sshll.u32 s6, $0x1;
	s6 =	sadd.s32 s21, s4  }
0x9e: {  	[timem:s8], [sflag:s22] =	dma.local [hbm:s6], s20  }
0x9f: {  	_ =	swait.ge [sflag:s22], s20  }
0xa0: {  	s5 =	ssub.s32 $0x0, s20;
	[sflag:s22] =	ssyncset.done $0x0  }
0xa1: {  	[sflag:s22] =	ssyncadd.s32 s5;
	_ =	sdelay $0x1  }
0xa2: {  	s23 =	simm.s32 $0x1B8B  }
0xa3: {  	_ =	swait.ge [sflag:s23], $0x1  }
0xa4: {  	[sflag:s23] =	ssyncset.done $0x0  }
0xa5: {  	s25 =	simm.s32 $0x1B8E;
	s24 =	sld [smem:$0x3FFE];
	[sflag:s23] =	ssyncadd.s32 $0xFFFFFFFF  }
0xa6: {  	s26 =	simm.s32 $execute0_lowered;
	[smem:$0x3FD2] =	sst s25  }
0xa7: {  	s6 =	sshll.u32 s26, $0x1;
	_ =	strace $0x80000046;
	[dreg:$0x1] =	wrdreg $0xFFFFFFFF  }
0xa8: {  	s28 =	simm.s32 $_size_execute0_lowered;
	s4 =	sadd.s32 s4, s6;
	[dreg:$0x0] =	wrdreg $0x0  }
0xa9: {  	s6 =	sshll.u32 s28, $0x1;
	[dreg:$0x2] =	wrdreg s4  }
0xaa: {  	[dreg:$0x3] =	wrdreg s6  }
0xab: {  	[dreg:$0x4] =	wrdreg $0xC0  }
0xac: {  	_ =	task [dreg:s8], $0x5FFFF  }
0xad: {  	[dreg:$0x1] =	wrdreg $0xFFFFFFFF  }
0xae: {  	[dreg:$0x0] =	wrdreg $0x60  }
0xaf: {  	[dreg:$0x2] =	wrdreg s2  }
0xb0: {  	[dreg:$0x3] =	wrdreg s24  }
0xb1: {  	[dreg:$0x4] =	wrdreg s18  }
0xb2: {  	[dreg:$0x5] =	wrdreg $0x9  }
0xb3: {  	_ =	task.clear_ibuf [dreg:s8], $0x6FFFF;
	_ =	strace $0x90000046  }
0xb4: {  	s29 =	simm.s32 $0x9;
	_ =	strace $0x80000048  }
0xb5: {  	_ =	swait.ge [sflag:s29], $0x1  }
0xb6: {  	[sflag:s29] =	ssyncadd.s32 $0xFFFFFFFF  }
0xb7: {  	_ =	strace $0x90000048  }
0xb8: {  	_ =	sfence  }
0xb9: {  	s30 =	sld [smem:$0x0];
	_ =	sdelay $0x2  }
0xba: {  	s31 =	sshll.u32 s1, $0xD;
	s1 =	sshrl.u32 s1, $0x2  }
0xbb: {  	s3 =	sand.u32 $0x4000, s31;
	s1 =	sadd.s32 s1, s30  }
0xbc: {  	s0 =	sor.u32 s3, s0;
	s1 =	sshll.u32 s1, $0x11  }
0xbd: {  	s0 =	sor.u32 s1, s0  }
0xbe: {  	s0 =	sadd.s32 $0x8F2B, s0  }
0xbf: {  	[sflag:s0] =	ssyncadd.remote.s32 $0x1  }
0xc0: {  	_ =	sfence.sel $0xFFFF  }
0xc1: {  	[dreg:$0x0] =	wrdreg $0xFFFFFFFF;
	(pc) =	sbr.abs _section_cstart, $3  }
0xc2: {  	[dreg:$0x1] =	wrdreg $0xFFFFFFFF  }
0xc3: {  	_ =	task.clear_ibuf [dreg:s8], $0x2FFFF;
	_ =	strace $0x9FFFFFFF  }
0xc4: {  	(tm) =	ssettm $0x7FFFFFFF  }
0xc5: {  	_ =	shalt  }
tec
execute0_lowered:
.L_overlay_start_1:
0x0: {  	(tag) =	ssettag $0x1  }
0x1: {  	s2 =	rddreg [dreg:$0x0]  }
0x2: {  	s10 =	rddreg [dreg:$0x1]  }
0x3: {  	s4 =	rddreg [dreg:$0x2];
	s3 =	srdreg.scid  }
0x4: {  	s0 =	rddreg [dreg:$0x3];
	s1 =	stileid.u32;
	s13 =	sand.u32 $0x1, s3  }
0x5: {  	s3 =	simm.s32 $0x0;
	s5 =	sshll.u32 s1, $0x3;
	s6 =	sshll.u32 s13, $0x2  }
0x6: {  	[smem:$0x7FF] =	sst s3;
	s6 =	sor.u32 s6, s5  }
0x7: {  	_ =	strace $0x80000047;
	s5 =	sadd.s32 s4, s6;
	s4 =	simm.s32 $0x2  }
0x8: {  	[tilespmem:s3], [sflag:$0x2] =	stream.linear.gather [hbm4b:s5+s3], $0x20, $0x38;
	[tilespmem:$0x200] =	vst v63  }
0x9: {  	_ =	swait.ge [sflag:s4], $0x20  }
0xa: {  	s14 =	sadd.s32 s6, s10;
	[sflag:s4] =	ssyncset.done $0x0  }
0xb: {  	s7 =	simm.s32 $0x80;
	s6 =	sadd.s32 $0x6E00, s14;
	[sflag:s4] =	ssyncadd.s32 $0xFFFFFFE0  }
0xc: {  	[tilespmem:s7], [sflag:$0x2] =	stream.linear.gather [hbm4b:s6+s3], $0x20, $0x38;
	[tilespmem:$0x200] =	vst v63  }
0xd: {  	_ =	swait.ge [sflag:s4], $0x20  }
0xe: {  	[sflag:s4] =	ssyncset.done $0x0  }
0xf: {  	s8 =	simm.s32 $0x20;
	s9 =	simm.s32 $0x100;
	[sflag:s4] =	ssyncadd.s32 $0xFFFFFFE0  }
0x10: {  	[tilespmem:s9], [sflag:$0x1] =	stream.indirect.gather [hbm4b:s2+s8], $0x1, s3, s8, $0xb8;
	[tilespmem:$0x200] =	vst v63  }
0x11: {  	s11 =	simm.s32 $0x180;
	s12 =	simm.s32 $0x1;
	s10 =	sadd.s32 $0x7000, s10  }
0x12: {  	[tilespmem:s11], [sflag:$0x1] =	stream.indirect.gather [hbm4b:s10+s8], $0x1, s7, s8, $0xb8;
	[tilespmem:$0x200] =	vst v63  }
0x13: {  	_ =	swait.ge [sflag:s12], $0x20  }
0x14: {  	[sflag:s12] =	ssyncset.done $0x0  }
0x15: {  	s15 =	ssub.s32 $0x2, s13;
	[sflag:s12] =	ssyncadd.s32 $0xFFFFFFE0  }
0x16: {  	s16 =	sshrl.u32 s15, $0x1;
	_ =	swait.ge [sflag:s12], $0x20  }
0x17: {  	s15 =	ssub.s32 s15, s16;
	[sflag:s12] =	ssyncset.done $0x0  }
0x18: {  	s13 =	sadd.s32 $0x37E00, s14;
	s15 =	smax.u32 s15, $0x1;
	[sflag:s12] =	ssyncadd.s32 $0xFFFFFFE0  }
0x19: {  	[hbm4b:s13+s3] =	stream.linear.scatter [tilespmem:s9], [sflag:$0x2], $0x20, $0x38;
	[tilespmem:$0x200] =	vst v63  }
0x1a: {  	p0 =	sne.s32 s15, $0x1;
	_ =	swait.ge [sflag:s4], $0x20  }
.Ltmp0:
0x1b: {  	[sflag:s4] =	ssyncset.done $0x0;
	(pc) =	sbr.rel @!p0 .LBB2_2-.Ltmp0, $4  }
0x1c: {  	s14 =	sadd.s32 $0x38000, s14;
	[sflag:s4] =	ssyncadd.s32 $0xFFFFFFE0  }
0x1d: {  	[hbm4b:s14+s3] =	stream.linear.scatter [tilespmem:s11], [sflag:$0x2], $0x20, $0x38;
	[tilespmem:$0x200] =	vst v63  }
0x1e: {  	_ =	swait.ge [sflag:s4], $0x20  }
0x1f: {  	s15 =	sadd.s32 $0xFFFFFFFF, s15;
	[sflag:s4] =	ssyncset.done $0x0  }
.LBB2_1:
0x20: {  	p0 =	sne.s32 s15, $0x1;
	s15 =	sadd.s32 $0xFFFFFFFF, s15;
	[sflag:s4] =	ssyncadd.s32 $0xFFFFFFE0  }
0x21: {  	[tilespmem:s3], [sflag:$0x2] =	stream.linear.gather [hbm4b:s5+s3], $0x20, $0x38;
	[tilespmem:$0x200] =	vst v63  }
0x22: {  	_ =	swait.ge [sflag:s4], $0x20  }
0x23: {  	[sflag:s4] =	ssyncset.done $0x0  }
0x24: {  	[sflag:s4] =	ssyncadd.s32 $0xFFFFFFE0  }
0x25: {  	[tilespmem:s7], [sflag:$0x2] =	stream.linear.gather [hbm4b:s6+s3], $0x20, $0x38;
	[tilespmem:$0x200] =	vst v63  }
0x26: {  	_ =	swait.ge [sflag:s4], $0x20  }
0x27: {  	[sflag:s4] =	ssyncset.done $0x0  }
0x28: {  	[sflag:s4] =	ssyncadd.s32 $0xFFFFFFE0  }
0x29: {  	[tilespmem:s9], [sflag:$0x1] =	stream.indirect.gather [hbm4b:s2+s8], $0x1, s3, s8, $0xb8;
	[tilespmem:$0x200] =	vst v63  }
0x2a: {  	_ = 	snop  }
0x2b: {  	[tilespmem:s11], [sflag:$0x1] =	stream.indirect.gather [hbm4b:s10+s8], $0x1, s7, s8, $0xb8;
	[tilespmem:$0x200] =	vst v63  }
0x2c: {  	_ =	swait.ge [sflag:s12], $0x20  }
0x2d: {  	[sflag:s12] =	ssyncset.done $0x0  }
0x2e: {  	[sflag:s12] =	ssyncadd.s32 $0xFFFFFFE0  }
0x2f: {  	_ =	swait.ge [sflag:s12], $0x20  }
0x30: {  	[sflag:s12] =	ssyncset.done $0x0  }
0x31: {  	[sflag:s12] =	ssyncadd.s32 $0xFFFFFFE0  }
0x32: {  	[hbm4b:s13+s3] =	stream.linear.scatter [tilespmem:s9], [sflag:$0x2], $0x20, $0x38;
	[tilespmem:$0x200] =	vst v63  }
0x33: {  	_ =	swait.ge [sflag:s4], $0x20  }
.Ltmp1:
0x34: {  	[sflag:s4] =	ssyncset.done $0x0;
	(pc) =	sbr.rel @p0 .LBB2_1-.Ltmp1, $4  }
0x35: {  	[sflag:s4] =	ssyncadd.s32 $0xFFFFFFE0  }
0x36: {  	[hbm4b:s14+s3] =	stream.linear.scatter [tilespmem:s11], [sflag:$0x2], $0x20, $0x38;
	[tilespmem:$0x200] =	vst v63  }
0x37: {  	_ =	swait.ge [sflag:s4], $0x20  }
0x38: {  	[sflag:s4] =	ssyncset.done $0x0  }
.LBB2_2:
0x39: {  	[sflag:s4] =	ssyncadd.s32 $0xFFFFFFE0  }
0x3a: {  	_ =	sfence.sel $0x180000  }
0x3b: {  	[bflag:$0x0] =	sbarrier.arrive $0xFFFF  }
0x3c: {  	p0 =	sne.s32 s1, $0x0;
	_ =	strace $0x90000047  }
0x3d: {  	s0 =	sadd.s32 @!p0 $0x100000, s0;
	[bflag:$0x2] =	sbarrier.arrive $0xFFFF  }
0x3e: {  	[sflag:s0] =	ssyncadd.tile.s32 @!p0 $0x1;
	_ =	shalt  }
.Lfunc_end2:
_tile_overlayer_lowered:
.L_overlay_start_2:
0x3f: {  	(tag) =	ssettag $0x2  }
0x40: {  	s0 =	rddreg [dreg:$0x0];
	s2 =	stileid.u32  }
0x41: {  	s1 =	rddreg [dreg:$0x1];
	p0 =	sne.s32 s2, $0x0  }
0x42: {  	s3 =	rddreg [dreg:$0x2];
	[bflag:$0x3] =	sbarrier.arrive $0xFFFF;
	s2 =	simm.s32 @!p0 $0x1C02  }
0x43: {  	[timem:s3], [sflag:s2] =	dma.local @!p0 [hbm:s0], s1  }
0x44: {  	s0 =	simm.s32 @!p0 $0x2  }
0x45: {  	_ =	swait.ge @!p0 [sflag:s0], s1  }
0x46: {  	s1 =	ssub.s32 @!p0 $0x0, s1;
	[sflag:s0] =	ssyncset.done @!p0 $0x0  }
0x47: {  	[sflag:s0] =	ssyncadd.s32 @!p0 s1  }
0x48: {  	[bflag:$0x3] =	sbarrier.arrive $0xFFFF  }
0x49: {  	_ =	shalt  }

</sc_bundles>
